<compile_context>
chip_gen: v7x
topology: tpu7x:2x2x1
jax: 0.10.2.dev20260603
libtpu: 0.0.44.dev20260713+nightly
codegen_flags: <defaults>
</compile_context>

<pallas_src>
import jax
import jax.numpy as jnp
from jax import lax
from jax.experimental import pallas as pl
from jax.experimental.pallas import tpu as pltpu
from jax.experimental.pallas import tpu_sc as plsc

_B, _T, _U, _V = 4, 512, 50, 256
_UH = _U // 2
_TQ = _T // 4
_LANES = 16
_NVC = _V // _LANES


def _logsoftmax_body(tn_ref, pn_ref, tn_ls_ref, pn_ls_ref):
    tn = tn_ref[0]
    tn_max = jnp.max(tn, axis=-1, keepdims=True)
    tn_ls_ref[0] = tn - tn_max - jnp.log(
        jnp.sum(jnp.exp(tn - tn_max), axis=-1, keepdims=True))
    pn = pn_ref[0]
    pn_max = jnp.max(pn, axis=-1, keepdims=True)
    pn_ls = pn - pn_max - jnp.log(
        jnp.sum(jnp.exp(pn - pn_max), axis=-1, keepdims=True))
    col = jax.lax.broadcasted_iota(jnp.int32, pn_ls.shape, 1)
    pn_ls_ref[0] = jnp.where(col == 0, 0.0, pn_ls)


def _log_softmaxes(tn_out, pn_out):
    return pl.pallas_call(
        _logsoftmax_body,
        grid=(_B,),
        in_specs=[
            pl.BlockSpec((1, _T, _V), lambda b: (b, 0, 0)),
            pl.BlockSpec((1, _U, _V), lambda b: (b, 0, 0)),
        ],
        out_specs=[
            pl.BlockSpec((1, _T, _V), lambda b: (b, 0, 0)),
            pl.BlockSpec((1, _U, _V), lambda b: (b, 0, 0)),
        ],
        out_shape=[
            jax.ShapeDtypeStruct((_B, _T, _V), tn_out.dtype),
            jax.ShapeDtypeStruct((_B, _U, _V), pn_out.dtype),
        ],
    )(tn_out, pn_out)


def _expand_compute(ob, pn_v, tn_v, u):
    pnregs = tuple(pn_v[u, pl.ds(vc * _LANES, _LANES)] for vc in range(_NVC))

    def tbody(t, regs):
        for vc in range(_NVC):
            sl = pl.ds(vc * _LANES, _LANES)
            ob[t, sl] = tn_v[t, sl] + regs[vc]
        return regs

    lax.fori_loop(0, _TQ, tbody, pnregs)


def _expand_body(tn_ls, pn_ls, out, pn_v, tn_v, ob0, ob1, sem0, sem1):
    wid = lax.axis_index("s") * 2 + lax.axis_index("c")
    b = wid // 8
    r = wid % 8
    u0 = (r // 4) * _UH
    t0 = (r % 4) * _TQ

    pltpu.sync_copy(pn_ls.at[b], pn_v)
    pltpu.sync_copy(tn_ls.at[b, pl.ds(t0, _TQ)], tn_v)

    def upair(j, carry):
        u_a = 2 * j
        u_b = 2 * j + 1

        @pl.when(j > 0)
        def _():
            pltpu.make_async_copy(
                ob0, out.at[b, u0 + u_a - 2, pl.ds(t0, _TQ)], sem0).wait()

        _expand_compute(ob0, pn_v, tn_v, u0 + u_a)
        pltpu.make_async_copy(
            ob0, out.at[b, u0 + u_a, pl.ds(t0, _TQ)], sem0).start()

        @pl.when(j > 0)
        def _():
            pltpu.make_async_copy(
                ob1, out.at[b, u0 + u_b - 2, pl.ds(t0, _TQ)], sem1).wait()

        _expand_compute(ob1, pn_v, tn_v, u0 + u_b)
        pltpu.make_async_copy(
            ob1, out.at[b, u0 + u_b, pl.ds(t0, _TQ)], sem1).start()
        return carry

    lax.fori_loop(0, _UH // 2, upair, 0)

    u_t = _UH - 1
    pltpu.make_async_copy(
        ob0, out.at[b, u0 + u_t - 2, pl.ds(t0, _TQ)], sem0).wait()
    _expand_compute(ob0, pn_v, tn_v, u0 + u_t)
    pltpu.make_async_copy(
        ob0, out.at[b, u0 + u_t, pl.ds(t0, _TQ)], sem0).start()
    pltpu.make_async_copy(
        ob0, out.at[b, u0 + u_t, pl.ds(t0, _TQ)], sem0).wait()
    pltpu.make_async_copy(
        ob1, out.at[b, u0 + u_t - 1, pl.ds(t0, _TQ)], sem1).wait()


def _expand(tn_ls, pn_ls):
    mesh = plsc.VectorSubcoreMesh(core_axis_name="c", subcore_axis_name="s")
    run = pl.kernel(
        _expand_body,
        out_type=jax.ShapeDtypeStruct((_B, _U, _T, _V), tn_ls.dtype),
        mesh=mesh,
        scratch_types=[
            pltpu.VMEM((_U, _V), jnp.float32),
            pltpu.VMEM((_TQ, _V), jnp.float32),
            pltpu.VMEM((_TQ, _V), jnp.float32),
            pltpu.VMEM((_TQ, _V), jnp.float32),
            pltpu.SemaphoreType.DMA,
            pltpu.SemaphoreType.DMA,
        ],
    )
    return run(tn_ls, pn_ls)


def kernel(tn_out, pn_out):
    tn_ls, pn_ls = _log_softmaxes(tn_out, pn_out)
    out_butv = _expand(tn_ls, pn_ls)
    return jnp.swapaxes(out_butv, 1, 2)

# --- scband reference (transcript-rebuilt; emitter-appended) ---
"""Pipeline reference for scband-denormal-joint-net-22462678958222 (READ-ONLY COPY).

The authoritative reference and input builder live on the scoring server;
editing this copy changes nothing except your own understanding.
"""

import jax, jax.numpy as jnp
import numpy as np


def setup_inputs(seed: int = 0) -> dict:
    key = jax.random.key(seed)
    k1, k2 = jax.random.split(key)
    tn_out = jax.random.normal(k1, (4, 512, 256), dtype=jnp.float32)
    pn_out = jax.random.normal(k2, (4, 50, 256), dtype=jnp.float32)
    return {"tn_out": tn_out, "pn_out": pn_out}


def reference(tn_out, pn_out):
    # DenormalJointNet.impl_forward, dense-tensor (non-PackedSequence) branch
    pn = jax.nn.log_softmax(pn_out, axis=-1)
    tn = jax.nn.log_softmax(tn_out, axis=-1)
    # zero out class 0 (<blk>/<eos>) of the prediction network output
    # (equivalent to pn_out[:, :, 0] = 0.0 / the concat-with-zeros variant)
    pn = jnp.concatenate([jnp.zeros(pn.shape[:2] + (1,), dtype=pn.dtype), pn[:, :, 1:]], axis=-1)
    # broadcast-add: pn [B,1,U,V] + tn [B,T,1,V] -> [B,T,U,V]
    out = pn[:, None, :, :] + tn[:, :, None, :]
    return out

if __name__ == "__main__":
    import jax
    _d = setup_inputs()
    print(jax.jit(kernel)(*tuple(_d.values())))

</pallas_src>

<mosaic_0001>
#map = affine_map<(d0, d1) -> (0, 0, 0)>
#map1 = affine_map<(d0, d1) -> (0, 0, 0, 0)>
module attributes {stable_mosaic.version = 14 : i64} {
  func.func @_expand_body(%arg0: i32, %arg1: i32, %arg2: memref<4x512x256xf32, #tpu.memory_space<hbm>>, %arg3: memref<4x50x256xf32, #tpu.memory_space<hbm>>, %arg4: memref<4x50x512x256xf32, #tpu.memory_space<hbm>>, %arg5: memref<50x256xf32, #tpu.memory_space<vmem>>, %arg6: memref<128x256xf32, #tpu.memory_space<vmem>>, %arg7: memref<128x256xf32, #tpu.memory_space<vmem>>, %arg8: memref<128x256xf32, #tpu.memory_space<vmem>>, %arg9: memref<!tpu.dma_semaphore, #tpu.memory_space<semaphore_mem>>, %arg10: memref<!tpu.dma_semaphore, #tpu.memory_space<semaphore_mem>>) attributes {dimension_semantics = [#tpu.dimension_semantics<core_parallel>, #tpu.dimension_semantics<subcore_parallel>], iteration_bounds = array<i64: 2, 16>, scalar_prefetch = 0 : i64, scratch_operands = 6 : i64, tpu.core_type = #tpu.core_type<sc_vector_subcore>, window_params = [{transform_indices = #map}, {transform_indices = #map}, {transform_indices = #map1}]} {
    %mul3A = arith.constant 2 : i32
    %mul3A_0 = arith.muli %arg1, %mul3A : i32
    %add3A = arith.addi %mul3A_0, %arg0 : i32
    %jit3A = arith.constant 8 : i32
    %div3A = arith.divsi %add3A, %jit3A : i32
    %sign3A = arith.constant 0 : i32
    %sign3A_1 = arith.cmpi sgt, %add3A, %sign3A : i32
    %sign3A_2 = arith.extui %sign3A_1 : i1 to i32
    %sign3A_3 = arith.constant 0 : i32
    %sign3A_4 = arith.cmpi slt, %add3A, %sign3A_3 : i32
    %sign3A_5 = arith.extui %sign3A_4 : i1 to i32
    %sign3A_6 = arith.subi %sign3A_2, %sign3A_5 : i32
    %sign3A_7 = arith.constant 0 : i32
    %sign3A_8 = arith.cmpi sgt, %jit3A, %sign3A_7 : i32
    %sign3A_9 = arith.extui %sign3A_8 : i1 to i32
    %sign3A_10 = arith.constant 0 : i32
    %sign3A_11 = arith.cmpi slt, %jit3A, %sign3A_10 : i32
    %sign3A_12 = arith.extui %sign3A_11 : i1 to i32
    %sign3A_13 = arith.subi %sign3A_9, %sign3A_12 : i32
    %ne3A = arith.cmpi ne, %sign3A_6, %sign3A_13 : i32
    %rem3A = arith.remsi %add3A, %jit3A : i32
    %ne3A_14 = arith.constant 0 : i32
    %ne3A_15 = arith.cmpi ne, %rem3A, %ne3A_14 : i32
    %and3A = arith.andi %ne3A, %ne3A_15 : i1
    %sub3A = arith.constant 1 : i32
    %sub3A_16 = arith.subi %div3A, %sub3A : i32
    %select_n3A = arith.select %and3A, %sub3A_16, %div3A : i32
    %jit3A_17 = arith.constant 8 : i32
    %eq3A = arith.constant 0 : i32
    %eq3A_18 = arith.cmpi eq, %jit3A_17, %eq3A : i32
    %jit3A_19 = arith.constant 1 : i32
    %select_n3A_20 = arith.select %eq3A_18, %jit3A_19, %jit3A_17 : i32
    %rem3A_21 = arith.remsi %add3A, %select_n3A_20 : i32
    %ne3A_22 = arith.constant 0 : i32
    %ne3A_23 = arith.cmpi ne, %rem3A_21, %ne3A_22 : i32
    %lt3A = arith.constant 0 : i32
    %lt3A_24 = arith.cmpi slt, %rem3A_21, %lt3A : i32
    %lt3A_25 = arith.constant 0 : i32
    %lt3A_26 = arith.cmpi slt, %select_n3A_20, %lt3A_25 : i32
    %ne3A_27 = arith.xori %lt3A_24, %lt3A_26 : i1
    %and3A_28 = arith.andi %ne3A_27, %ne3A_23 : i1
    %add3A_29 = arith.addi %rem3A_21, %select_n3A_20 : i32
    %select_n3A_30 = arith.select %and3A_28, %add3A_29, %rem3A_21 : i32
    %jit3A_31 = arith.constant 4 : i32
    %div3A_32 = arith.divsi %select_n3A_30, %jit3A_31 : i32
    %sign3A_33 = arith.constant 0 : i32
    %sign3A_34 = arith.cmpi sgt, %select_n3A_30, %sign3A_33 : i32
    %sign3A_35 = arith.extui %sign3A_34 : i1 to i32
    %sign3A_36 = arith.constant 0 : i32
    %sign3A_37 = arith.cmpi slt, %select_n3A_30, %sign3A_36 : i32
    %sign3A_38 = arith.extui %sign3A_37 : i1 to i32
    %sign3A_39 = arith.subi %sign3A_35, %sign3A_38 : i32
    %sign3A_40 = arith.constant 0 : i32
    %sign3A_41 = arith.cmpi sgt, %jit3A_31, %sign3A_40 : i32
    %sign3A_42 = arith.extui %sign3A_41 : i1 to i32
    %sign3A_43 = arith.constant 0 : i32
    %sign3A_44 = arith.cmpi slt, %jit3A_31, %sign3A_43 : i32
    %sign3A_45 = arith.extui %sign3A_44 : i1 to i32
    %sign3A_46 = arith.subi %sign3A_42, %sign3A_45 : i32
    %ne3A_47 = arith.cmpi ne, %sign3A_39, %sign3A_46 : i32
    %rem3A_48 = arith.remsi %select_n3A_30, %jit3A_31 : i32
    %ne3A_49 = arith.constant 0 : i32
    %ne3A_50 = arith.cmpi ne, %rem3A_48, %ne3A_49 : i32
    %and3A_51 = arith.andi %ne3A_47, %ne3A_50 : i1
    %sub3A_52 = arith.constant 1 : i32
    %sub3A_53 = arith.subi %div3A_32, %sub3A_52 : i32
    %select_n3A_54 = arith.select %and3A_51, %sub3A_53, %div3A_32 : i32
    %mul3A_55 = arith.constant 25 : i32
    %mul3A_56 = arith.muli %select_n3A_54, %mul3A_55 : i32
    %jit3A_57 = arith.constant 4 : i32
    %eq3A_58 = arith.constant 0 : i32
    %eq3A_59 = arith.cmpi eq, %jit3A_57, %eq3A_58 : i32
    %jit3A_60 = arith.constant 1 : i32
    %select_n3A_61 = arith.select %eq3A_59, %jit3A_60, %jit3A_57 : i32
    %rem3A_62 = arith.remsi %select_n3A_30, %select_n3A_61 : i32
    %ne3A_63 = arith.constant 0 : i32
    %ne3A_64 = arith.cmpi ne, %rem3A_62, %ne3A_63 : i32
    %lt3A_65 = arith.constant 0 : i32
    %lt3A_66 = arith.cmpi slt, %rem3A_62, %lt3A_65 : i32
    %lt3A_67 = arith.constant 0 : i32
    %lt3A_68 = arith.cmpi slt, %select_n3A_61, %lt3A_67 : i32
    %ne3A_69 = arith.xori %lt3A_66, %lt3A_68 : i1
    %and3A_70 = arith.andi %ne3A_69, %ne3A_64 : i1
    %add3A_71 = arith.addi %rem3A_62, %select_n3A_61 : i32
    %select_n3A_72 = arith.select %and3A_70, %add3A_71, %rem3A_62 : i32
    %mul3A_73 = arith.constant 128 : i32
    %mul3A_74 = arith.muli %select_n3A_72, %mul3A_73 : i32
    "tpu.region"() ({
      %run_scoped3A = tpu.sem_alloc : memref<!tpu.dma_semaphore, #tpu.memory_space<semaphore_mem>>
      %dma_start3A_184 = arith.constant 0 : i32
      %dma_start3A_185 = arith.constant 0 : i32
      %dma_start3A_186 = tpu.memref_slice %arg3[%select_n3A, %dma_start3A_184, %dma_start3A_185] : memref<4x50x256xf32, #tpu.memory_space<hbm>> -> memref<1x50x256xf32, #tpu.memory_space<hbm>>
      %dma_start3A_187 = tpu.memref_squeeze %dma_start3A_186 : memref<1x50x256xf32, #tpu.memory_space<hbm>> -> memref<50x256xf32, #tpu.memory_space<hbm>>
      %dma_start3A_188 = arith.constant 0 : i32
      %dma_start3A_189 = arith.constant 0 : i32
      %dma_start3A_190 = tpu.memref_slice %arg3[%select_n3A, %dma_start3A_188, %dma_start3A_189] : memref<4x50x256xf32, #tpu.memory_space<hbm>> -> memref<1x50x256xf32, #tpu.memory_space<hbm>>
      %dma_start3A_191 = tpu.memref_squeeze %dma_start3A_190 : memref<1x50x256xf32, #tpu.memory_space<hbm>> -> memref<50x256xf32, #tpu.memory_space<hbm>>
      tpu.enqueue_dma source(%dma_start3A_191 : memref<50x256xf32, #tpu.memory_space<hbm>>) target(%arg5 : memref<50x256xf32, #tpu.memory_space<vmem>>) target_semaphore(%run_scoped3A : memref<!tpu.dma_semaphore, #tpu.memory_space<semaphore_mem>>)
      %dma_wait3A_192 = arith.constant 0 : i32
      %dma_wait3A_193 = arith.constant 0 : i32
      %dma_wait3A_194 = tpu.memref_slice %arg3[%select_n3A, %dma_wait3A_192, %dma_wait3A_193] : memref<4x50x256xf32, #tpu.memory_space<hbm>> -> memref<1x50x256xf32, #tpu.memory_space<hbm>>
      %dma_wait3A_195 = tpu.memref_squeeze %dma_wait3A_194 : memref<1x50x256xf32, #tpu.memory_space<hbm>> -> memref<50x256xf32, #tpu.memory_space<hbm>>
      %dma_wait3A_196 = arith.constant 0 : i32
      %dma_wait3A_197 = arith.constant 0 : i32
      %dma_wait3A_198 = tpu.memref_slice %arg3[%select_n3A, %dma_wait3A_196, %dma_wait3A_197] : memref<4x50x256xf32, #tpu.memory_space<hbm>> -> memref<1x50x256xf32, #tpu.memory_space<hbm>>
      %dma_wait3A_199 = tpu.memref_squeeze %dma_wait3A_198 : memref<1x50x256xf32, #tpu.memory_space<hbm>> -> memref<50x256xf32, #tpu.memory_space<hbm>>
      tpu.wait_dma2 semaphore(%run_scoped3A : memref<!tpu.dma_semaphore, #tpu.memory_space<semaphore_mem>>) src(%dma_wait3A_199 : memref<50x256xf32, #tpu.memory_space<hbm>>) dst(%arg5 : memref<50x256xf32, #tpu.memory_space<vmem>>)
      tpu.yield
    }) : () -> ()
    "tpu.region"() ({
      %run_scoped3A = tpu.sem_alloc : memref<!tpu.dma_semaphore, #tpu.memory_space<semaphore_mem>>
      %dma_start3A_184 = arith.constant 0 : i32
      %dma_start3A_185 = tpu.memref_slice %arg2[%select_n3A, %mul3A_74, %dma_start3A_184] : memref<4x512x256xf32, #tpu.memory_space<hbm>> -> memref<1x128x256xf32, #tpu.memory_space<hbm>>
      %dma_start3A_186 = tpu.memref_squeeze %dma_start3A_185 : memref<1x128x256xf32, #tpu.memory_space<hbm>> -> memref<128x256xf32, #tpu.memory_space<hbm>>
      %dma_start3A_187 = arith.constant 0 : i32
      %dma_start3A_188 = tpu.memref_slice %arg2[%select_n3A, %mul3A_74, %dma_start3A_187] : memref<4x512x256xf32, #tpu.memory_space<hbm>> -> memref<1x128x256xf32, #tpu.memory_space<hbm>>
      %dma_start3A_189 = tpu.memref_squeeze %dma_start3A_188 : memref<1x128x256xf32, #tpu.memory_space<hbm>> -> memref<128x256xf32, #tpu.memory_space<hbm>>
      tpu.enqueue_dma source(%dma_start3A_189 : memref<128x256xf32, #tpu.memory_space<hbm>>) target(%arg6 : memref<128x256xf32, #tpu.memory_space<vmem>>) target_semaphore(%run_scoped3A : memref<!tpu.dma_semaphore, #tpu.memory_space<semaphore_mem>>)
      %dma_wait3A_190 = arith.constant 0 : i32
      %dma_wait3A_191 = tpu.memref_slice %arg2[%select_n3A, %mul3A_74, %dma_wait3A_190] : memref<4x512x256xf32, #tpu.memory_space<hbm>> -> memref<1x128x256xf32, #tpu.memory_space<hbm>>
      %dma_wait3A_192 = tpu.memref_squeeze %dma_wait3A_191 : memref<1x128x256xf32, #tpu.memory_space<hbm>> -> memref<128x256xf32, #tpu.memory_space<hbm>>
      %dma_wait3A_193 = arith.constant 0 : i32
      %dma_wait3A_194 = tpu.memref_slice %arg2[%select_n3A, %mul3A_74, %dma_wait3A_193] : memref<4x512x256xf32, #tpu.memory_space<hbm>> -> memref<1x128x256xf32, #tpu.memory_space<hbm>>
      %dma_wait3A_195 = tpu.memref_squeeze %dma_wait3A_194 : memref<1x128x256xf32, #tpu.memory_space<hbm>> -> memref<128x256xf32, #tpu.memory_space<hbm>>
      tpu.wait_dma2 semaphore(%run_scoped3A : memref<!tpu.dma_semaphore, #tpu.memory_space<semaphore_mem>>) src(%dma_wait3A_195 : memref<128x256xf32, #tpu.memory_space<hbm>>) dst(%arg6 : memref<128x256xf32, #tpu.memory_space<vmem>>)
      tpu.yield
    }) : () -> ()
    %scan3A = arith.constant 0 : i32
    %scan3A_75 = arith.constant 0 : i32
    %scan3A_76 = arith.constant 12 : i32
    %scan3A_77 = arith.addi %scan3A_75, %scan3A_76 : i32
    %scan3A_78 = arith.constant 1 : i32
    scf.for %scan3A_184 = %scan3A_75 to %scan3A_77 step %scan3A_78  : i32 {
      %mul3A_185 = arith.constant 2 : i32
      %mul3A_186 = arith.muli %mul3A_185, %scan3A_184 : i32
      %mul3A_187 = arith.constant 2 : i32
      %mul3A_188 = arith.muli %mul3A_187, %scan3A_184 : i32
      %add3A_189 = arith.constant 1 : i32
      %add3A_190 = arith.addi %mul3A_188, %add3A_189 : i32
      %gt3A = arith.constant 0 : i32
      %gt3A_191 = arith.cmpi sgt, %scan3A_184, %gt3A : i32
      %convert_element_type3A = arith.extui %gt3A_191 : i1 to i32
      %cond3A = arith.constant 0 : i32
      %cond3A_192 = arith.cmpi ne, %convert_element_type3A, %cond3A : i32
      scf.if %cond3A_192 {
        %add3A_352 = arith.addi %mul3A_56, %mul3A_186 : i32
        %sub3A_353 = arith.constant 2 : i32
        %sub3A_354 = arith.subi %add3A_352, %sub3A_353 : i32
        %dma_wait3A_355 = arith.constant 0 : i32
        %dma_wait3A_356 = tpu.memref_slice %arg4[%select_n3A, %sub3A_354, %mul3A_74, %dma_wait3A_355] : memref<4x50x512x256xf32, #tpu.memory_space<hbm>> -> memref<1x1x128x256xf32, #tpu.memory_space<hbm>>
        %dma_wait3A_357 = tpu.memref_squeeze %dma_wait3A_356 : memref<1x1x128x256xf32, #tpu.memory_space<hbm>> -> memref<128x256xf32, #tpu.memory_space<hbm>>
        %dma_wait3A_358 = arith.constant 0 : i32
        %dma_wait3A_359 = tpu.memref_slice %arg4[%select_n3A, %sub3A_354, %mul3A_74, %dma_wait3A_358] : memref<4x50x512x256xf32, #tpu.memory_space<hbm>> -> memref<1x1x128x256xf32, #tpu.memory_space<hbm>>
        %dma_wait3A_360 = tpu.memref_squeeze %dma_wait3A_359 : memref<1x1x128x256xf32, #tpu.memory_space<hbm>> -> memref<128x256xf32, #tpu.memory_space<hbm>>
        tpu.wait_dma2 semaphore(%arg9 : memref<!tpu.dma_semaphore, #tpu.memory_space<semaphore_mem>>) src(%arg7 : memref<128x256xf32, #tpu.memory_space<vmem>>) dst(%dma_wait3A_360 : memref<128x256xf32, #tpu.memory_space<hbm>>)
      } else {
      }
      %add3A_193 = arith.addi %mul3A_56, %mul3A_186 : i32
      %get3A_194 = arith.index_cast %add3A_193 : i32 to index
      %get3A_195 = arith.constant 0 : index
      %get3A_196 = tpu.vector_load %arg5[%get3A_194, %get3A_195] {strides = array<i32>} : memref<50x256xf32, #tpu.memory_space<vmem>>, vector<1x16xf32>,
      %get3A_197 = vector.shape_cast %get3A_196 : vector<1x16xf32> to vector<16xf32>
      %get3A_198 = arith.index_cast %add3A_193 : i32 to index
      %get3A_199 = arith.constant 16 : index
      %get3A_200 = tpu.vector_load %arg5[%get3A_198, %get3A_199] {strides = array<i32>} : memref<50x256xf32, #tpu.memory_space<vmem>>, vector<1x16xf32>,
      %get3A_201 = vector.shape_cast %get3A_200 : vector<1x16xf32> to vector<16xf32>
      %get3A_202 = arith.index_cast %add3A_193 : i32 to index
      %get3A_203 = arith.constant 32 : index
      %get3A_204 = tpu.vector_load %arg5[%get3A_202, %get3A_203] {strides = array<i32>} : memref<50x256xf32, #tpu.memory_space<vmem>>, vector<1x16xf32>,
      %get3A_205 = vector.shape_cast %get3A_204 : vector<1x16xf32> to vector<16xf32>
      %get3A_206 = arith.index_cast %add3A_193 : i32 to index
      %get3A_207 = arith.constant 48 : index
      %get3A_208 = tpu.vector_load %arg5[%get3A_206, %get3A_207] {strides = array<i32>} : memref<50x256xf32, #tpu.memory_space<vmem>>, vector<1x16xf32>,
      %get3A_209 = vector.shape_cast %get3A_208 : vector<1x16xf32> to vector<16xf32>
      %get3A_210 = arith.index_cast %add3A_193 : i32 to index
      %get3A_211 = arith.constant 64 : index
      %get3A_212 = tpu.vector_load %arg5[%get3A_210, %get3A_211] {strides = array<i32>} : memref<50x256xf32, #tpu.memory_space<vmem>>, vector<1x16xf32>,
      %get3A_213 = vector.shape_cast %get3A_212 : vector<1x16xf32> to vector<16xf32>
      %get3A_214 = arith.index_cast %add3A_193 : i32 to index
      %get3A_215 = arith.constant 80 : index
      %get3A_216 = tpu.vector_load %arg5[%get3A_214, %get3A_215] {strides = array<i32>} : memref<50x256xf32, #tpu.memory_space<vmem>>, vector<1x16xf32>,
      %get3A_217 = vector.shape_cast %get3A_216 : vector<1x16xf32> to vector<16xf32>
      %get3A_218 = arith.index_cast %add3A_193 : i32 to index
      %get3A_219 = arith.constant 96 : index
      %get3A_220 = tpu.vector_load %arg5[%get3A_218, %get3A_219] {strides = array<i32>} : memref<50x256xf32, #tpu.memory_space<vmem>>, vector<1x16xf32>,
      %get3A_221 = vector.shape_cast %get3A_220 : vector<1x16xf32> to vector<16xf32>
      %get3A_222 = arith.index_cast %add3A_193 : i32 to index
      %get3A_223 = arith.constant 112 : index
      %get3A_224 = tpu.vector_load %arg5[%get3A_222, %get3A_223] {strides = array<i32>} : memref<50x256xf32, #tpu.memory_space<vmem>>, vector<1x16xf32>,
      %get3A_225 = vector.shape_cast %get3A_224 : vector<1x16xf32> to vector<16xf32>
      %get3A_226 = arith.index_cast %add3A_193 : i32 to index
      %get3A_227 = arith.constant 128 : index
      %get3A_228 = tpu.vector_load %arg5[%get3A_226, %get3A_227] {strides = array<i32>} : memref<50x256xf32, #tpu.memory_space<vmem>>, vector<1x16xf32>,
      %get3A_229 = vector.shape_cast %get3A_228 : vector<1x16xf32> to vector<16xf32>
      %get3A_230 = arith.index_cast %add3A_193 : i32 to index
      %get3A_231 = arith.constant 144 : index
      %get3A_232 = tpu.vector_load %arg5[%get3A_230, %get3A_231] {strides = array<i32>} : memref<50x256xf32, #tpu.memory_space<vmem>>, vector<1x16xf32>,
      %get3A_233 = vector.shape_cast %get3A_232 : vector<1x16xf32> to vector<16xf32>
      %get3A_234 = arith.index_cast %add3A_193 : i32 to index
      %get3A_235 = arith.constant 160 : index
      %get3A_236 = tpu.vector_load %arg5[%get3A_234, %get3A_235] {strides = array<i32>} : memref<50x256xf32, #tpu.memory_space<vmem>>, vector<1x16xf32>,
      %get3A_237 = vector.shape_cast %get3A_236 : vector<1x16xf32> to vector<16xf32>
      %get3A_238 = arith.index_cast %add3A_193 : i32 to index
      %get3A_239 = arith.constant 176 : index
      %get3A_240 = tpu.vector_load %arg5[%get3A_238, %get3A_239] {strides = array<i32>} : memref<50x256xf32, #tpu.memory_space<vmem>>, vector<1x16xf32>,
      %get3A_241 = vector.shape_cast %get3A_240 : vector<1x16xf32> to vector<16xf32>
      %get3A_242 = arith.index_cast %add3A_193 : i32 to index
      %get3A_243 = arith.constant 192 : index
      %get3A_244 = tpu.vector_load %arg5[%get3A_242, %get3A_243] {strides = array<i32>} : memref<50x256xf32, #tpu.memory_space<vmem>>, vector<1x16xf32>,
      %get3A_245 = vector.shape_cast %get3A_244 : vector<1x16xf32> to vector<16xf32>
      %get3A_246 = arith.index_cast %add3A_193 : i32 to index
      %get3A_247 = arith.constant 208 : index
      %get3A_248 = tpu.vector_load %arg5[%get3A_246, %get3A_247] {strides = array<i32>} : memref<50x256xf32, #tpu.memory_space<vmem>>, vector<1x16xf32>,
      %get3A_249 = vector.shape_cast %get3A_248 : vector<1x16xf32> to vector<16xf32>
      %get3A_250 = arith.index_cast %add3A_193 : i32 to index
      %get3A_251 = arith.constant 224 : index
      %get3A_252 = tpu.vector_load %arg5[%get3A_250, %get3A_251] {strides = array<i32>} : memref<50x256xf32, #tpu.memory_space<vmem>>, vector<1x16xf32>,
      %get3A_253 = vector.shape_cast %get3A_252 : vector<1x16xf32> to vector<16xf32>
      %get3A_254 = arith.index_cast %add3A_193 : i32 to index
      %get3A_255 = arith.constant 240 : index
      %get3A_256 = tpu.vector_load %arg5[%get3A_254, %get3A_255] {strides = array<i32>} : memref<50x256xf32, #tpu.memory_space<vmem>>, vector<1x16xf32>,
      %get3A_257 = vector.shape_cast %get3A_256 : vector<1x16xf32> to vector<16xf32>
      %scan3A_258 = arith.constant 0 : i32
      %scan3A_259 = arith.constant 128 : i32
      %scan3A_260 = arith.addi %scan3A_258, %scan3A_259 : i32
      %scan3A_261 = arith.constant 1 : i32
      scf.for %scan3A_352 = %scan3A_258 to %scan3A_260 step %scan3A_261  : i32 {
        %get3A_353 = arith.index_cast %scan3A_352 : i32 to index
        %get3A_354 = arith.constant 0 : index
        %get3A_355 = tpu.vector_load %arg6[%get3A_353, %get3A_354] {strides = array<i32>} : memref<128x256xf32, #tpu.memory_space<vmem>>, vector<1x16xf32>,
        %get3A_356 = vector.shape_cast %get3A_355 : vector<1x16xf32> to vector<16xf32>
        %add3A_357 = arith.addf %get3A_356, %get3A_197 : vector<16xf32>
        %swap3A = arith.index_cast %scan3A_352 : i32 to index
        %swap3A_358 = arith.constant 0 : index
        %swap3A_359 = tpu.vector_load %arg7[%swap3A, %swap3A_358] {strides = array<i32>} : memref<128x256xf32, #tpu.memory_space<vmem>>, vector<1x16xf32>,
        %swap3A_360 = vector.shape_cast %swap3A_359 : vector<1x16xf32> to vector<16xf32>
        %swap3A_361 = vector.shape_cast %add3A_357 : vector<16xf32> to vector<1x16xf32>
        tpu.vector_store %arg7[%swap3A, %swap3A_358], %swap3A_361 {strides = array<i32>} : memref<128x256xf32, #tpu.memory_space<vmem>>, vector<1x16xf32>,
        %get3A_362 = arith.index_cast %scan3A_352 : i32 to index
        %get3A_363 = arith.constant 16 : index
        %get3A_364 = tpu.vector_load %arg6[%get3A_362, %get3A_363] {strides = array<i32>} : memref<128x256xf32, #tpu.memory_space<vmem>>, vector<1x16xf32>,
        %get3A_365 = vector.shape_cast %get3A_364 : vector<1x16xf32> to vector<16xf32>
        %add3A_366 = arith.addf %get3A_365, %get3A_201 : vector<16xf32>
        %swap3A_367 = arith.index_cast %scan3A_352 : i32 to index
        %swap3A_368 = arith.constant 16 : index
        %swap3A_369 = tpu.vector_load %arg7[%swap3A_367, %swap3A_368] {strides = array<i32>} : memref<128x256xf32, #tpu.memory_space<vmem>>, vector<1x16xf32>,
        %swap3A_370 = vector.shape_cast %swap3A_369 : vector<1x16xf32> to vector<16xf32>
        %swap3A_371 = vector.shape_cast %add3A_366 : vector<16xf32> to vector<1x16xf32>
        tpu.vector_store %arg7[%swap3A_367, %swap3A_368], %swap3A_371 {strides = array<i32>} : memref<128x256xf32, #tpu.memory_space<vmem>>, vector<1x16xf32>,
        %get3A_372 = arith.index_cast %scan3A_352 : i32 to index
        %get3A_373 = arith.constant 32 : index
        %get3A_374 = tpu.vector_load %arg6[%get3A_372, %get3A_373] {strides = array<i32>} : memref<128x256xf32, #tpu.memory_space<vmem>>, vector<1x16xf32>,
        %get3A_375 = vector.shape_cast %get3A_374 : vector<1x16xf32> to vector<16xf32>
        %add3A_376 = arith.addf %get3A_375, %get3A_205 : vector<16xf32>
        %swap3A_377 = arith.index_cast %scan3A_352 : i32 to index
        %swap3A_378 = arith.constant 32 : index
        %swap3A_379 = tpu.vector_load %arg7[%swap3A_377, %swap3A_378] {strides = array<i32>} : memref<128x256xf32, #tpu.memory_space<vmem>>, vector<1x16xf32>,
        %swap3A_380 = vector.shape_cast %swap3A_379 : vector<1x16xf32> to vector<16xf32>
        %swap3A_381 = vector.shape_cast %add3A_376 : vector<16xf32> to vector<1x16xf32>
        tpu.vector_store %arg7[%swap3A_377, %swap3A_378], %swap3A_381 {strides = array<i32>} : memref<128x256xf32, #tpu.memory_space<vmem>>, vector<1x16xf32>,
        %get3A_382 = arith.index_cast %scan3A_352 : i32 to index
        %get3A_383 = arith.constant 48 : index
        %get3A_384 = tpu.vector_load %arg6[%get3A_382, %get3A_383] {strides = array<i32>} : memref<128x256xf32, #tpu.memory_space<vmem>>, vector<1x16xf32>,
        %get3A_385 = vector.shape_cast %get3A_384 : vector<1x16xf32> to vector<16xf32>
        %add3A_386 = arith.addf %get3A_385, %get3A_209 : vector<16xf32>
        %swap3A_387 = arith.index_cast %scan3A_352 : i32 to index
        %swap3A_388 = arith.constant 48 : index
        %swap3A_389 = tpu.vector_load %arg7[%swap3A_387, %swap3A_388] {strides = array<i32>} : memref<128x256xf32, #tpu.memory_space<vmem>>, vector<1x16xf32>,
        %swap3A_390 = vector.shape_cast %swap3A_389 : vector<1x16xf32> to vector<16xf32>
        %swap3A_391 = vector.shape_cast %add3A_386 : vector<16xf32> to vector<1x16xf32>
        tpu.vector_store %arg7[%swap3A_387, %swap3A_388], %swap3A_391 {strides = array<i32>} : memref<128x256xf32, #tpu.memory_space<vmem>>, vector<1x16xf32>,
        %get3A_392 = arith.index_cast %scan3A_352 : i32 to index
        %get3A_393 = arith.constant 64 : index
        %get3A_394 = tpu.vector_load %arg6[%get3A_392, %get3A_393] {strides = array<i32>} : memref<128x256xf32, #tpu.memory_space<vmem>>, vector<1x16xf32>,
        %get3A_395 = vector.shape_cast %get3A_394 : vector<1x16xf32> to vector<16xf32>
        %add3A_396 = arith.addf %get3A_395, %get3A_213 : vector<16xf32>
        %swap3A_397 = arith.index_cast %scan3A_352 : i32 to index
        %swap3A_398 = arith.constant 64 : index
        %swap3A_399 = tpu.vector_load %arg7[%swap3A_397, %swap3A_398] {strides = array<i32>} : memref<128x256xf32, #tpu.memory_space<vmem>>, vector<1x16xf32>,
        %swap3A_400 = vector.shape_cast %swap3A_399 : vector<1x16xf32> to vector<16xf32>
        %swap3A_401 = vector.shape_cast %add3A_396 : vector<16xf32> to vector<1x16xf32>
        tpu.vector_store %arg7[%swap3A_397, %swap3A_398], %swap3A_401 {strides = array<i32>} : memref<128x256xf32, #tpu.memory_space<vmem>>, vector<1x16xf32>,
        %get3A_402 = arith.index_cast %scan3A_352 : i32 to index
        %get3A_403 = arith.constant 80 : index
        %get3A_404 = tpu.vector_load %arg6[%get3A_402, %get3A_403] {strides = array<i32>} : memref<128x256xf32, #tpu.memory_space<vmem>>, vector<1x16xf32>,
        %get3A_405 = vector.shape_cast %get3A_404 : vector<1x16xf32> to vector<16xf32>
        %add3A_406 = arith.addf %get3A_405, %get3A_217 : vector<16xf32>
        %swap3A_407 = arith.index_cast %scan3A_352 : i32 to index
        %swap3A_408 = arith.constant 80 : index
        %swap3A_409 = tpu.vector_load %arg7[%swap3A_407, %swap3A_408] {strides = array<i32>} : memref<128x256xf32, #tpu.memory_space<vmem>>, vector<1x16xf32>,
        %swap3A_410 = vector.shape_cast %swap3A_409 : vector<1x16xf32> to vector<16xf32>
        %swap3A_411 = vector.shape_cast %add3A_406 : vector<16xf32> to vector<1x16xf32>
        tpu.vector_store %arg7[%swap3A_407, %swap3A_408], %swap3A_411 {strides = array<i32>} : memref<128x256xf32, #tpu.memory_space<vmem>>, vector<1x16xf32>,
        %get3A_412 = arith.index_cast %scan3A_352 : i32 to index
        %get3A_413 = arith.constant 96 : index
        %get3A_414 = tpu.vector_load %arg6[%get3A_412, %get3A_413] {strides = array<i32>} : memref<128x256xf32, #tpu.memory_space<vmem>>, vector<1x16xf32>,
        %get3A_415 = vector.shape_cast %get3A_414 : vector<1x16xf32> to vector<16xf32>
        %add3A_416 = arith.addf %get3A_415, %get3A_221 : vector<16xf32>
        %swap3A_417 = arith.index_cast %scan3A_352 : i32 to index
        %swap3A_418 = arith.constant 96 : index
        %swap3A_419 = tpu.vector_load %arg7[%swap3A_417, %swap3A_418] {strides = array<i32>} : memref<128x256xf32, #tpu.memory_space<vmem>>, vector<1x16xf32>,
        %swap3A_420 = vector.shape_cast %swap3A_419 : vector<1x16xf32> to vector<16xf32>
        %swap3A_421 = vector.shape_cast %add3A_416 : vector<16xf32> to vector<1x16xf32>
        tpu.vector_store %arg7[%swap3A_417, %swap3A_418], %swap3A_421 {strides = array<i32>} : memref<128x256xf32, #tpu.memory_space<vmem>>, vector<1x16xf32>,
        %get3A_422 = arith.index_cast %scan3A_352 : i32 to index
        %get3A_423 = arith.constant 112 : index
        %get3A_424 = tpu.vector_load %arg6[%get3A_422, %get3A_423] {strides = array<i32>} : memref<128x256xf32, #tpu.memory_space<vmem>>, vector<1x16xf32>,
        %get3A_425 = vector.shape_cast %get3A_424 : vector<1x16xf32> to vector<16xf32>
        %add3A_426 = arith.addf %get3A_425, %get3A_225 : vector<16xf32>
        %swap3A_427 = arith.index_cast %scan3A_352 : i32 to index
        %swap3A_428 = arith.constant 112 : index
        %swap3A_429 = tpu.vector_load %arg7[%swap3A_427, %swap3A_428] {strides = array<i32>} : memref<128x256xf32, #tpu.memory_space<vmem>>, vector<1x16xf32>,
        %swap3A_430 = vector.shape_cast %swap3A_429 : vector<1x16xf32> to vector<16xf32>
        %swap3A_431 = vector.shape_cast %add3A_426 : vector<16xf32> to vector<1x16xf32>
        tpu.vector_store %arg7[%swap3A_427, %swap3A_428], %swap3A_431 {strides = array<i32>} : memref<128x256xf32, #tpu.memory_space<vmem>>, vector<1x16xf32>,
        %get3A_432 = arith.index_cast %scan3A_352 : i32 to index
        %get3A_433 = arith.constant 128 : index
        %get3A_434 = tpu.vector_load %arg6[%get3A_432, %get3A_433] {strides = array<i32>} : memref<128x256xf32, #tpu.memory_space<vmem>>, vector<1x16xf32>,
        %get3A_435 = vector.shape_cast %get3A_434 : vector<1x16xf32> to vector<16xf32>
        %add3A_436 = arith.addf %get3A_435, %get3A_229 : vector<16xf32>
        %swap3A_437 = arith.index_cast %scan3A_352 : i32 to index
        %swap3A_438 = arith.constant 128 : index
        %swap3A_439 = tpu.vector_load %arg7[%swap3A_437, %swap3A_438] {strides = array<i32>} : memref<128x256xf32, #tpu.memory_space<vmem>>, vector<1x16xf32>,
        %swap3A_440 = vector.shape_cast %swap3A_439 : vector<1x16xf32> to vector<16xf32>
        %swap3A_441 = vector.shape_cast %add3A_436 : vector<16xf32> to vector<1x16xf32>
        tpu.vector_store %arg7[%swap3A_437, %swap3A_438], %swap3A_441 {strides = array<i32>} : memref<128x256xf32, #tpu.memory_space<vmem>>, vector<1x16xf32>,
        %get3A_442 = arith.index_cast %scan3A_352 : i32 to index
        %get3A_443 = arith.constant 144 : index
        %get3A_444 = tpu.vector_load %arg6[%get3A_442, %get3A_443] {strides = array<i32>} : memref<128x256xf32, #tpu.memory_space<vmem>>, vector<1x16xf32>,
        %get3A_445 = vector.shape_cast %get3A_444 : vector<1x16xf32> to vector<16xf32>
        %add3A_446 = arith.addf %get3A_445, %get3A_233 : vector<16xf32>
        %swap3A_447 = arith.index_cast %scan3A_352 : i32 to index
        %swap3A_448 = arith.constant 144 : index
        %swap3A_449 = tpu.vector_load %arg7[%swap3A_447, %swap3A_448] {strides = array<i32>} : memref<128x256xf32, #tpu.memory_space<vmem>>, vector<1x16xf32>,
        %swap3A_450 = vector.shape_cast %swap3A_449 : vector<1x16xf32> to vector<16xf32>
        %swap3A_451 = vector.shape_cast %add3A_446 : vector<16xf32> to vector<1x16xf32>
        tpu.vector_store %arg7[%swap3A_447, %swap3A_448], %swap3A_451 {strides = array<i32>} : memref<128x256xf32, #tpu.memory_space<vmem>>, vector<1x16xf32>,
        %get3A_452 = arith.index_cast %scan3A_352 : i32 to index
        %get3A_453 = arith.constant 160 : index
        %get3A_454 = tpu.vector_load %arg6[%get3A_452, %get3A_453] {strides = array<i32>} : memref<128x256xf32, #tpu.memory_space<vmem>>, vector<1x16xf32>,
        %get3A_455 = vector.shape_cast %get3A_454 : vector<1x16xf32> to vector<16xf32>
        %add3A_456 = arith.addf %get3A_455, %get3A_237 : vector<16xf32>
        %swap3A_457 = arith.index_cast %scan3A_352 : i32 to index
        %swap3A_458 = arith.constant 160 : index
        %swap3A_459 = tpu.vector_load %arg7[%swap3A_457, %swap3A_458] {strides = array<i32>} : memref<128x256xf32, #tpu.memory_space<vmem>>, vector<1x16xf32>,
        %swap3A_460 = vector.shape_cast %swap3A_459 : vector<1x16xf32> to vector<16xf32>
        %swap3A_461 = vector.shape_cast %add3A_456 : vector<16xf32> to vector<1x16xf32>
        tpu.vector_store %arg7[%swap3A_457, %swap3A_458], %swap3A_461 {strides = array<i32>} : memref<128x256xf32, #tpu.memory_space<vmem>>, vector<1x16xf32>,
        %get3A_462 = arith.index_cast %scan3A_352 : i32 to index
        %get3A_463 = arith.constant 176 : index
        %get3A_464 = tpu.vector_load %arg6[%get3A_462, %get3A_463] {strides = array<i32>} : memref<128x256xf32, #tpu.memory_space<vmem>>, vector<1x16xf32>,
        %get3A_465 = vector.shape_cast %get3A_464 : vector<1x16xf32> to vector<16xf32>
        %add3A_466 = arith.addf %get3A_465, %get3A_241 : vector<16xf32>
        %swap3A_467 = arith.index_cast %scan3A_352 : i32 to index
        %swap3A_468 = arith.constant 176 : index
        %swap3A_469 = tpu.vector_load %arg7[%swap3A_467, %swap3A_468] {strides = array<i32>} : memref<128x256xf32, #tpu.memory_space<vmem>>, vector<1x16xf32>,
        %swap3A_470 = vector.shape_cast %swap3A_469 : vector<1x16xf32> to vector<16xf32>
        %swap3A_471 = vector.shape_cast %add3A_466 : vector<16xf32> to vector<1x16xf32>
        tpu.vector_store %arg7[%swap3A_467, %swap3A_468], %swap3A_471 {strides = array<i32>} : memref<128x256xf32, #tpu.memory_space<vmem>>, vector<1x16xf32>,
        %get3A_472 = arith.index_cast %scan3A_352 : i32 to index
        %get3A_473 = arith.constant 192 : index
        %get3A_474 = tpu.vector_load %arg6[%get3A_472, %get3A_473] {strides = array<i32>} : memref<128x256xf32, #tpu.memory_space<vmem>>, vector<1x16xf32>,
        %get3A_475 = vector.shape_cast %get3A_474 : vector<1x16xf32> to vector<16xf32>
        %add3A_476 = arith.addf %get3A_475, %get3A_245 : vector<16xf32>
        %swap3A_477 = arith.index_cast %scan3A_352 : i32 to index
        %swap3A_478 = arith.constant 192 : index
        %swap3A_479 = tpu.vector_load %arg7[%swap3A_477, %swap3A_478] {strides = array<i32>} : memref<128x256xf32, #tpu.memory_space<vmem>>, vector<1x16xf32>,
        %swap3A_480 = vector.shape_cast %swap3A_479 : vector<1x16xf32> to vector<16xf32>
        %swap3A_481 = vector.shape_cast %add3A_476 : vector<16xf32> to vector<1x16xf32>
        tpu.vector_store %arg7[%swap3A_477, %swap3A_478], %swap3A_481 {strides = array<i32>} : memref<128x256xf32, #tpu.memory_space<vmem>>, vector<1x16xf32>,
        %get3A_482 = arith.index_cast %scan3A_352 : i32 to index
        %get3A_483 = arith.constant 208 : index
        %get3A_484 = tpu.vector_load %arg6[%get3A_482, %get3A_483] {strides = array<i32>} : memref<128x256xf32, #tpu.memory_space<vmem>>, vector<1x16xf32>,
        %get3A_485 = vector.shape_cast %get3A_484 : vector<1x16xf32> to vector<16xf32>
        %add3A_486 = arith.addf %get3A_485, %get3A_249 : vector<16xf32>
        %swap3A_487 = arith.index_cast %scan3A_352 : i32 to index
        %swap3A_488 = arith.constant 208 : index
        %swap3A_489 = tpu.vector_load %arg7[%swap3A_487, %swap3A_488] {strides = array<i32>} : memref<128x256xf32, #tpu.memory_space<vmem>>, vector<1x16xf32>,
        %swap3A_490 = vector.shape_cast %swap3A_489 : vector<1x16xf32> to vector<16xf32>
        %swap3A_491 = vector.shape_cast %add3A_486 : vector<16xf32> to vector<1x16xf32>
        tpu.vector_store %arg7[%swap3A_487, %swap3A_488], %swap3A_491 {strides = array<i32>} : memref<128x256xf32, #tpu.memory_space<vmem>>, vector<1x16xf32>,
        %get3A_492 = arith.index_cast %scan3A_352 : i32 to index
        %get3A_493 = arith.constant 224 : index
        %get3A_494 = tpu.vector_load %arg6[%get3A_492, %get3A_493] {strides = array<i32>} : memref<128x256xf32, #tpu.memory_space<vmem>>, vector<1x16xf32>,
        %get3A_495 = vector.shape_cast %get3A_494 : vector<1x16xf32> to vector<16xf32>
        %add3A_496 = arith.addf %get3A_495, %get3A_253 : vector<16xf32>
        %swap3A_497 = arith.index_cast %scan3A_352 : i32 to index
        %swap3A_498 = arith.constant 224 : index
        %swap3A_499 = tpu.vector_load %arg7[%swap3A_497, %swap3A_498] {strides = array<i32>} : memref<128x256xf32, #tpu.memory_space<vmem>>, vector<1x16xf32>,
        %swap3A_500 = vector.shape_cast %swap3A_499 : vector<1x16xf32> to vector<16xf32>
        %swap3A_501 = vector.shape_cast %add3A_496 : vector<16xf32> to vector<1x16xf32>
        tpu.vector_store %arg7[%swap3A_497, %swap3A_498], %swap3A_501 {strides = array<i32>} : memref<128x256xf32, #tpu.memory_space<vmem>>, vector<1x16xf32>,
        %get3A_502 = arith.index_cast %scan3A_352 : i32 to index
        %get3A_503 = arith.constant 240 : index
        %get3A_504 = tpu.vector_load %arg6[%get3A_502, %get3A_503] {strides = array<i32>} : memref<128x256xf32, #tpu.memory_space<vmem>>, vector<1x16xf32>,
        %get3A_505 = vector.shape_cast %get3A_504 : vector<1x16xf32> to vector<16xf32>
        %add3A_506 = arith.addf %get3A_505, %get3A_257 : vector<16xf32>
        %swap3A_507 = arith.index_cast %scan3A_352 : i32 to index
        %swap3A_508 = arith.constant 240 : index
        %swap3A_509 = tpu.vector_load %arg7[%swap3A_507, %swap3A_508] {strides = array<i32>} : memref<128x256xf32, #tpu.memory_space<vmem>>, vector<1x16xf32>,
        %swap3A_510 = vector.shape_cast %swap3A_509 : vector<1x16xf32> to vector<16xf32>
        %swap3A_511 = vector.shape_cast %add3A_506 : vector<16xf32> to vector<1x16xf32>
        tpu.vector_store %arg7[%swap3A_507, %swap3A_508], %swap3A_511 {strides = array<i32>} : memref<128x256xf32, #tpu.memory_space<vmem>>, vector<1x16xf32>,
      }
      %scan3A_262 = arith.constant 128 : i32
      %add3A_263 = arith.addi %mul3A_56, %mul3A_186 : i32
      %dma_start3A_264 = arith.constant 0 : i32
      %dma_start3A_265 = tpu.memref_slice %arg4[%select_n3A, %add3A_263, %mul3A_74, %dma_start3A_264] : memref<4x50x512x256xf32, #tpu.memory_space<hbm>> -> memref<1x1x128x256xf32, #tpu.memory_space<hbm>>
      %dma_start3A_266 = tpu.memref_squeeze %dma_start3A_265 : memref<1x1x128x256xf32, #tpu.memory_space<hbm>> -> memref<128x256xf32, #tpu.memory_space<hbm>>
      %dma_start3A_267 = arith.constant 0 : i32
      %dma_start3A_268 = tpu.memref_slice %arg4[%select_n3A, %add3A_263, %mul3A_74, %dma_start3A_267] : memref<4x50x512x256xf32, #tpu.memory_space<hbm>> -> memref<1x1x128x256xf32, #tpu.memory_space<hbm>>
      %dma_start3A_269 = tpu.memref_squeeze %dma_start3A_268 : memref<1x1x128x256xf32, #tpu.memory_space<hbm>> -> memref<128x256xf32, #tpu.memory_space<hbm>>
      tpu.enqueue_dma source(%arg7 : memref<128x256xf32, #tpu.memory_space<vmem>>) target(%dma_start3A_269 : memref<128x256xf32, #tpu.memory_space<hbm>>) target_semaphore(%arg9 : memref<!tpu.dma_semaphore, #tpu.memory_space<semaphore_mem>>)
      %gt3A_270 = arith.constant 0 : i32
      %gt3A_271 = arith.cmpi sgt, %scan3A_184, %gt3A_270 : i32
      %convert_element_type3A_272 = arith.extui %gt3A_271 : i1 to i32
      %cond3A_273 = arith.constant 0 : i32
      %cond3A_274 = arith.cmpi ne, %convert_element_type3A_272, %cond3A_273 : i32
      scf.if %cond3A_274 {
        %add3A_352 = arith.addi %mul3A_56, %add3A_190 : i32
        %sub3A_353 = arith.constant 2 : i32
        %sub3A_354 = arith.subi %add3A_352, %sub3A_353 : i32
        %dma_wait3A_355 = arith.constant 0 : i32
        %dma_wait3A_356 = tpu.memref_slice %arg4[%select_n3A, %sub3A_354, %mul3A_74, %dma_wait3A_355] : memref<4x50x512x256xf32, #tpu.memory_space<hbm>> -> memref<1x1x128x256xf32, #tpu.memory_space<hbm>>
        %dma_wait3A_357 = tpu.memref_squeeze %dma_wait3A_356 : memref<1x1x128x256xf32, #tpu.memory_space<hbm>> -> memref<128x256xf32, #tpu.memory_space<hbm>>
        %dma_wait3A_358 = arith.constant 0 : i32
        %dma_wait3A_359 = tpu.memref_slice %arg4[%select_n3A, %sub3A_354, %mul3A_74, %dma_wait3A_358] : memref<4x50x512x256xf32, #tpu.memory_space<hbm>> -> memref<1x1x128x256xf32, #tpu.memory_space<hbm>>
        %dma_wait3A_360 = tpu.memref_squeeze %dma_wait3A_359 : memref<1x1x128x256xf32, #tpu.memory_space<hbm>> -> memref<128x256xf32, #tpu.memory_space<hbm>>
        tpu.wait_dma2 semaphore(%arg10 : memref<!tpu.dma_semaphore, #tpu.memory_space<semaphore_mem>>) src(%arg8 : memref<128x256xf32, #tpu.memory_space<vmem>>) dst(%dma_wait3A_360 : memref<128x256xf32, #tpu.memory_space<hbm>>)
      } else {
      }
      %add3A_275 = arith.addi %mul3A_56, %add3A_190 : i32
      %get3A_276 = arith.index_cast %add3A_275 : i32 to index
      %get3A_277 = arith.constant 0 : index
      %get3A_278 = tpu.vector_load %arg5[%get3A_276, %get3A_277] {strides = array<i32>} : memref<50x256xf32, #tpu.memory_space<vmem>>, vector<1x16xf32>,
      %get3A_279 = vector.shape_cast %get3A_278 : vector<1x16xf32> to vector<16xf32>
      %get3A_280 = arith.index_cast %add3A_275 : i32 to index
      %get3A_281 = arith.constant 16 : index
      %get3A_282 = tpu.vector_load %arg5[%get3A_280, %get3A_281] {strides = array<i32>} : memref<50x256xf32, #tpu.memory_space<vmem>>, vector<1x16xf32>,
      %get3A_283 = vector.shape_cast %get3A_282 : vector<1x16xf32> to vector<16xf32>
      %get3A_284 = arith.index_cast %add3A_275 : i32 to index
      %get3A_285 = arith.constant 32 : index
      %get3A_286 = tpu.vector_load %arg5[%get3A_284, %get3A_285] {strides = array<i32>} : memref<50x256xf32, #tpu.memory_space<vmem>>, vector<1x16xf32>,
      %get3A_287 = vector.shape_cast %get3A_286 : vector<1x16xf32> to vector<16xf32>
      %get3A_288 = arith.index_cast %add3A_275 : i32 to index
      %get3A_289 = arith.constant 48 : index
      %get3A_290 = tpu.vector_load %arg5[%get3A_288, %get3A_289] {strides = array<i32>} : memref<50x256xf32, #tpu.memory_space<vmem>>, vector<1x16xf32>,
      %get3A_291 = vector.shape_cast %get3A_290 : vector<1x16xf32> to vector<16xf32>
      %get3A_292 = arith.index_cast %add3A_275 : i32 to index
      %get3A_293 = arith.constant 64 : index
      %get3A_294 = tpu.vector_load %arg5[%get3A_292, %get3A_293] {strides = array<i32>} : memref<50x256xf32, #tpu.memory_space<vmem>>, vector<1x16xf32>,
      %get3A_295 = vector.shape_cast %get3A_294 : vector<1x16xf32> to vector<16xf32>
      %get3A_296 = arith.index_cast %add3A_275 : i32 to index
      %get3A_297 = arith.constant 80 : index
      %get3A_298 = tpu.vector_load %arg5[%get3A_296, %get3A_297] {strides = array<i32>} : memref<50x256xf32, #tpu.memory_space<vmem>>, vector<1x16xf32>,
      %get3A_299 = vector.shape_cast %get3A_298 : vector<1x16xf32> to vector<16xf32>
      %get3A_300 = arith.index_cast %add3A_275 : i32 to index
      %get3A_301 = arith.constant 96 : index
      %get3A_302 = tpu.vector_load %arg5[%get3A_300, %get3A_301] {strides = array<i32>} : memref<50x256xf32, #tpu.memory_space<vmem>>, vector<1x16xf32>,
      %get3A_303 = vector.shape_cast %get3A_302 : vector<1x16xf32> to vector<16xf32>
      %get3A_304 = arith.index_cast %add3A_275 : i32 to index
      %get3A_305 = arith.constant 112 : index
      %get3A_306 = tpu.vector_load %arg5[%get3A_304, %get3A_305] {strides = array<i32>} : memref<50x256xf32, #tpu.memory_space<vmem>>, vector<1x16xf32>,
      %get3A_307 = vector.shape_cast %get3A_306 : vector<1x16xf32> to vector<16xf32>
      %get3A_308 = arith.index_cast %add3A_275 : i32 to index
      %get3A_309 = arith.constant 128 : index
      %get3A_310 = tpu.vector_load %arg5[%get3A_308, %get3A_309] {strides = array<i32>} : memref<50x256xf32, #tpu.memory_space<vmem>>, vector<1x16xf32>,
      %get3A_311 = vector.shape_cast %get3A_310 : vector<1x16xf32> to vector<16xf32>
      %get3A_312 = arith.index_cast %add3A_275 : i32 to index
      %get3A_313 = arith.constant 144 : index
      %get3A_314 = tpu.vector_load %arg5[%get3A_312, %get3A_313] {strides = array<i32>} : memref<50x256xf32, #tpu.memory_space<vmem>>, vector<1x16xf32>,
      %get3A_315 = vector.shape_cast %get3A_314 : vector<1x16xf32> to vector<16xf32>
      %get3A_316 = arith.index_cast %add3A_275 : i32 to index
      %get3A_317 = arith.constant 160 : index
      %get3A_318 = tpu.vector_load %arg5[%get3A_316, %get3A_317] {strides = array<i32>} : memref<50x256xf32, #tpu.memory_space<vmem>>, vector<1x16xf32>,
      %get3A_319 = vector.shape_cast %get3A_318 : vector<1x16xf32> to vector<16xf32>
      %get3A_320 = arith.index_cast %add3A_275 : i32 to index
      %get3A_321 = arith.constant 176 : index
      %get3A_322 = tpu.vector_load %arg5[%get3A_320, %get3A_321] {strides = array<i32>} : memref<50x256xf32, #tpu.memory_space<vmem>>, vector<1x16xf32>,
      %get3A_323 = vector.shape_cast %get3A_322 : vector<1x16xf32> to vector<16xf32>
      %get3A_324 = arith.index_cast %add3A_275 : i32 to index
      %get3A_325 = arith.constant 192 : index
      %get3A_326 = tpu.vector_load %arg5[%get3A_324, %get3A_325] {strides = array<i32>} : memref<50x256xf32, #tpu.memory_space<vmem>>, vector<1x16xf32>,
      %get3A_327 = vector.shape_cast %get3A_326 : vector<1x16xf32> to vector<16xf32>
      %get3A_328 = arith.index_cast %add3A_275 : i32 to index
      %get3A_329 = arith.constant 208 : index
      %get3A_330 = tpu.vector_load %arg5[%get3A_328, %get3A_329] {strides = array<i32>} : memref<50x256xf32, #tpu.memory_space<vmem>>, vector<1x16xf32>,
      %get3A_331 = vector.shape_cast %get3A_330 : vector<1x16xf32> to vector<16xf32>
      %get3A_332 = arith.index_cast %add3A_275 : i32 to index
      %get3A_333 = arith.constant 224 : index
      %get3A_334 = tpu.vector_load %arg5[%get3A_332, %get3A_333] {strides = array<i32>} : memref<50x256xf32, #tpu.memory_space<vmem>>, vector<1x16xf32>,
      %get3A_335 = vector.shape_cast %get3A_334 : vector<1x16xf32> to vector<16xf32>
      %get3A_336 = arith.index_cast %add3A_275 : i32 to index
      %get3A_337 = arith.constant 240 : index
      %get3A_338 = tpu.vector_load %arg5[%get3A_336, %get3A_337] {strides = array<i32>} : memref<50x256xf32, #tpu.memory_space<vmem>>, vector<1x16xf32>,
      %get3A_339 = vector.shape_cast %get3A_338 : vector<1x16xf32> to vector<16xf32>
      %scan3A_340 = arith.constant 0 : i32
      %scan3A_341 = arith.constant 128 : i32
      %scan3A_342 = arith.addi %scan3A_340, %scan3A_341 : i32
      %scan3A_343 = arith.constant 1 : i32
      scf.for %scan3A_352 = %scan3A_340 to %scan3A_342 step %scan3A_343  : i32 {
        %get3A_353 = arith.index_cast %scan3A_352 : i32 to index
        %get3A_354 = arith.constant 0 : index
        %get3A_355 = tpu.vector_load %arg6[%get3A_353, %get3A_354] {strides = array<i32>} : memref<128x256xf32, #tpu.memory_space<vmem>>, vector<1x16xf32>,
        %get3A_356 = vector.shape_cast %get3A_355 : vector<1x16xf32> to vector<16xf32>
        %add3A_357 = arith.addf %get3A_356, %get3A_279 : vector<16xf32>
        %swap3A = arith.index_cast %scan3A_352 : i32 to index
        %swap3A_358 = arith.constant 0 : index
        %swap3A_359 = tpu.vector_load %arg8[%swap3A, %swap3A_358] {strides = array<i32>} : memref<128x256xf32, #tpu.memory_space<vmem>>, vector<1x16xf32>,
        %swap3A_360 = vector.shape_cast %swap3A_359 : vector<1x16xf32> to vector<16xf32>
        %swap3A_361 = vector.shape_cast %add3A_357 : vector<16xf32> to vector<1x16xf32>
        tpu.vector_store %arg8[%swap3A, %swap3A_358], %swap3A_361 {strides = array<i32>} : memref<128x256xf32, #tpu.memory_space<vmem>>, vector<1x16xf32>,
        %get3A_362 = arith.index_cast %scan3A_352 : i32 to index
        %get3A_363 = arith.constant 16 : index
        %get3A_364 = tpu.vector_load %arg6[%get3A_362, %get3A_363] {strides = array<i32>} : memref<128x256xf32, #tpu.memory_space<vmem>>, vector<1x16xf32>,
        %get3A_365 = vector.shape_cast %get3A_364 : vector<1x16xf32> to vector<16xf32>
        %add3A_366 = arith.addf %get3A_365, %get3A_283 : vector<16xf32>
        %swap3A_367 = arith.index_cast %scan3A_352 : i32 to index
        %swap3A_368 = arith.constant 16 : index
        %swap3A_369 = tpu.vector_load %arg8[%swap3A_367, %swap3A_368] {strides = array<i32>} : memref<128x256xf32, #tpu.memory_space<vmem>>, vector<1x16xf32>,
        %swap3A_370 = vector.shape_cast %swap3A_369 : vector<1x16xf32> to vector<16xf32>
        %swap3A_371 = vector.shape_cast %add3A_366 : vector<16xf32> to vector<1x16xf32>
        tpu.vector_store %arg8[%swap3A_367, %swap3A_368], %swap3A_371 {strides = array<i32>} : memref<128x256xf32, #tpu.memory_space<vmem>>, vector<1x16xf32>,
        %get3A_372 = arith.index_cast %scan3A_352 : i32 to index
        %get3A_373 = arith.constant 32 : index
        %get3A_374 = tpu.vector_load %arg6[%get3A_372, %get3A_373] {strides = array<i32>} : memref<128x256xf32, #tpu.memory_space<vmem>>, vector<1x16xf32>,
        %get3A_375 = vector.shape_cast %get3A_374 : vector<1x16xf32> to vector<16xf32>
        %add3A_376 = arith.addf %get3A_375, %get3A_287 : vector<16xf32>
        %swap3A_377 = arith.index_cast %scan3A_352 : i32 to index
        %swap3A_378 = arith.constant 32 : index
        %swap3A_379 = tpu.vector_load %arg8[%swap3A_377, %swap3A_378] {strides = array<i32>} : memref<128x256xf32, #tpu.memory_space<vmem>>, vector<1x16xf32>,
        %swap3A_380 = vector.shape_cast %swap3A_379 : vector<1x16xf32> to vector<16xf32>
        %swap3A_381 = vector.shape_cast %add3A_376 : vector<16xf32> to vector<1x16xf32>
        tpu.vector_store %arg8[%swap3A_377, %swap3A_378], %swap3A_381 {strides = array<i32>} : memref<128x256xf32, #tpu.memory_space<vmem>>, vector<1x16xf32>,
        %get3A_382 = arith.index_cast %scan3A_352 : i32 to index
        %get3A_383 = arith.constant 48 : index
        %get3A_384 = tpu.vector_load %arg6[%get3A_382, %get3A_383] {strides = array<i32>} : memref<128x256xf32, #tpu.memory_space<vmem>>, vector<1x16xf32>,
        %get3A_385 = vector.shape_cast %get3A_384 : vector<1x16xf32> to vector<16xf32>
        %add3A_386 = arith.addf %get3A_385, %get3A_291 : vector<16xf32>
        %swap3A_387 = arith.index_cast %scan3A_352 : i32 to index
        %swap3A_388 = arith.constant 48 : index
        %swap3A_389 = tpu.vector_load %arg8[%swap3A_387, %swap3A_388] {strides = array<i32>} : memref<128x256xf32, #tpu.memory_space<vmem>>, vector<1x16xf32>,
        %swap3A_390 = vector.shape_cast %swap3A_389 : vector<1x16xf32> to vector<16xf32>
        %swap3A_391 = vector.shape_cast %add3A_386 : vector<16xf32> to vector<1x16xf32>
        tpu.vector_store %arg8[%swap3A_387, %swap3A_388], %swap3A_391 {strides = array<i32>} : memref<128x256xf32, #tpu.memory_space<vmem>>, vector<1x16xf32>,
        %get3A_392 = arith.index_cast %scan3A_352 : i32 to index
        %get3A_393 = arith.constant 64 : index
        %get3A_394 = tpu.vector_load %arg6[%get3A_392, %get3A_393] {strides = array<i32>} : memref<128x256xf32, #tpu.memory_space<vmem>>, vector<1x16xf32>,
        %get3A_395 = vector.shape_cast %get3A_394 : vector<1x16xf32> to vector<16xf32>
        %add3A_396 = arith.addf %get3A_395, %get3A_295 : vector<16xf32>
        %swap3A_397 = arith.index_cast %scan3A_352 : i32 to index
        %swap3A_398 = arith.constant 64 : index
        %swap3A_399 = tpu.vector_load %arg8[%swap3A_397, %swap3A_398] {strides = array<i32>} : memref<128x256xf32, #tpu.memory_space<vmem>>, vector<1x16xf32>,
        %swap3A_400 = vector.shape_cast %swap3A_399 : vector<1x16xf32> to vector<16xf32>
        %swap3A_401 = vector.shape_cast %add3A_396 : vector<16xf32> to vector<1x16xf32>
        tpu.vector_store %arg8[%swap3A_397, %swap3A_398], %swap3A_401 {strides = array<i32>} : memref<128x256xf32, #tpu.memory_space<vmem>>, vector<1x16xf32>,
        %get3A_402 = arith.index_cast %scan3A_352 : i32 to index
        %get3A_403 = arith.constant 80 : index
        %get3A_404 = tpu.vector_load %arg6[%get3A_402, %get3A_403] {strides = array<i32>} : memref<128x256xf32, #tpu.memory_space<vmem>>, vector<1x16xf32>,
        %get3A_405 = vector.shape_cast %get3A_404 : vector<1x16xf32> to vector<16xf32>
        %add3A_406 = arith.addf %get3A_405, %get3A_299 : vector<16xf32>
        %swap3A_407 = arith.index_cast %scan3A_352 : i32 to index
        %swap3A_408 = arith.constant 80 : index
        %swap3A_409 = tpu.vector_load %arg8[%swap3A_407, %swap3A_408] {strides = array<i32>} : memref<128x256xf32, #tpu.memory_space<vmem>>, vector<1x16xf32>,
        %swap3A_410 = vector.shape_cast %swap3A_409 : vector<1x16xf32> to vector<16xf32>
        %swap3A_411 = vector.shape_cast %add3A_406 : vector<16xf32> to vector<1x16xf32>
        tpu.vector_store %arg8[%swap3A_407, %swap3A_408], %swap3A_411 {strides = array<i32>} : memref<128x256xf32, #tpu.memory_space<vmem>>, vector<1x16xf32>,
        %get3A_412 = arith.index_cast %scan3A_352 : i32 to index
        %get3A_413 = arith.constant 96 : index
        %get3A_414 = tpu.vector_load %arg6[%get3A_412, %get3A_413] {strides = array<i32>} : memref<128x256xf32, #tpu.memory_space<vmem>>, vector<1x16xf32>,
        %get3A_415 = vector.shape_cast %get3A_414 : vector<1x16xf32> to vector<16xf32>
        %add3A_416 = arith.addf %get3A_415, %get3A_303 : vector<16xf32>
        %swap3A_417 = arith.index_cast %scan3A_352 : i32 to index
        %swap3A_418 = arith.constant 96 : index
        %swap3A_419 = tpu.vector_load %arg8[%swap3A_417, %swap3A_418] {strides = array<i32>} : memref<128x256xf32, #tpu.memory_space<vmem>>, vector<1x16xf32>,
        %swap3A_420 = vector.shape_cast %swap3A_419 : vector<1x16xf32> to vector<16xf32>
        %swap3A_421 = vector.shape_cast %add3A_416 : vector<16xf32> to vector<1x16xf32>
        tpu.vector_store %arg8[%swap3A_417, %swap3A_418], %swap3A_421 {strides = array<i32>} : memref<128x256xf32, #tpu.memory_space<vmem>>, vector<1x16xf32>,
        %get3A_422 = arith.index_cast %scan3A_352 : i32 to index
        %get3A_423 = arith.constant 112 : index
        %get3A_424 = tpu.vector_load %arg6[%get3A_422, %get3A_423] {strides = array<i32>} : memref<128x256xf32, #tpu.memory_space<vmem>>, vector<1x16xf32>,
        %get3A_425 = vector.shape_cast %get3A_424 : vector<1x16xf32> to vector<16xf32>
        %add3A_426 = arith.addf %get3A_425, %get3A_307 : vector<16xf32>
        %swap3A_427 = arith.index_cast %scan3A_352 : i32 to index
        %swap3A_428 = arith.constant 112 : index
        %swap3A_429 = tpu.vector_load %arg8[%swap3A_427, %swap3A_428] {strides = array<i32>} : memref<128x256xf32, #tpu.memory_space<vmem>>, vector<1x16xf32>,
        %swap3A_430 = vector.shape_cast %swap3A_429 : vector<1x16xf32> to vector<16xf32>
        %swap3A_431 = vector.shape_cast %add3A_426 : vector<16xf32> to vector<1x16xf32>
        tpu.vector_store %arg8[%swap3A_427, %swap3A_428], %swap3A_431 {strides = array<i32>} : memref<128x256xf32, #tpu.memory_space<vmem>>, vector<1x16xf32>,
        %get3A_432 = arith.index_cast %scan3A_352 : i32 to index
        %get3A_433 = arith.constant 128 : index
        %get3A_434 = tpu.vector_load %arg6[%get3A_432, %get3A_433] {strides = array<i32>} : memref<128x256xf32, #tpu.memory_space<vmem>>, vector<1x16xf32>,
        %get3A_435 = vector.shape_cast %get3A_434 : vector<1x16xf32> to vector<16xf32>
        %add3A_436 = arith.addf %get3A_435, %get3A_311 : vector<16xf32>
        %swap3A_437 = arith.index_cast %scan3A_352 : i32 to index
        %swap3A_438 = arith.constant 128 : index
        %swap3A_439 = tpu.vector_load %arg8[%swap3A_437, %swap3A_438] {strides = array<i32>} : memref<128x256xf32, #tpu.memory_space<vmem>>, vector<1x16xf32>,
        %swap3A_440 = vector.shape_cast %swap3A_439 : vector<1x16xf32> to vector<16xf32>
        %swap3A_441 = vector.shape_cast %add3A_436 : vector<16xf32> to vector<1x16xf32>
        tpu.vector_store %arg8[%swap3A_437, %swap3A_438], %swap3A_441 {strides = array<i32>} : memref<128x256xf32, #tpu.memory_space<vmem>>, vector<1x16xf32>,
        %get3A_442 = arith.index_cast %scan3A_352 : i32 to index
        %get3A_443 = arith.constant 144 : index
        %get3A_444 = tpu.vector_load %arg6[%get3A_442, %get3A_443] {strides = array<i32>} : memref<128x256xf32, #tpu.memory_space<vmem>>, vector<1x16xf32>,
        %get3A_445 = vector.shape_cast %get3A_444 : vector<1x16xf32> to vector<16xf32>
        %add3A_446 = arith.addf %get3A_445, %get3A_315 : vector<16xf32>
        %swap3A_447 = arith.index_cast %scan3A_352 : i32 to index
        %swap3A_448 = arith.constant 144 : index
        %swap3A_449 = tpu.vector_load %arg8[%swap3A_447, %swap3A_448] {strides = array<i32>} : memref<128x256xf32, #tpu.memory_space<vmem>>, vector<1x16xf32>,
        %swap3A_450 = vector.shape_cast %swap3A_449 : vector<1x16xf32> to vector<16xf32>
        %swap3A_451 = vector.shape_cast %add3A_446 : vector<16xf32> to vector<1x16xf32>
        tpu.vector_store %arg8[%swap3A_447, %swap3A_448], %swap3A_451 {strides = array<i32>} : memref<128x256xf32, #tpu.memory_space<vmem>>, vector<1x16xf32>,
        %get3A_452 = arith.index_cast %scan3A_352 : i32 to index
        %get3A_453 = arith.constant 160 : index
        %get3A_454 = tpu.vector_load %arg6[%get3A_452, %get3A_453] {strides = array<i32>} : memref<128x256xf32, #tpu.memory_space<vmem>>, vector<1x16xf32>,
        %get3A_455 = vector.shape_cast %get3A_454 : vector<1x16xf32> to vector<16xf32>
        %add3A_456 = arith.addf %get3A_455, %get3A_319 : vector<16xf32>
        %swap3A_457 = arith.index_cast %scan3A_352 : i32 to index
        %swap3A_458 = arith.constant 160 : index
        %swap3A_459 = tpu.vector_load %arg8[%swap3A_457, %swap3A_458] {strides = array<i32>} : memref<128x256xf32, #tpu.memory_space<vmem>>, vector<1x16xf32>,
        %swap3A_460 = vector.shape_cast %swap3A_459 : vector<1x16xf32> to vector<16xf32>
        %swap3A_461 = vector.shape_cast %add3A_456 : vector<16xf32> to vector<1x16xf32>
        tpu.vector_store %arg8[%swap3A_457, %swap3A_458], %swap3A_461 {strides = array<i32>} : memref<128x256xf32, #tpu.memory_space<vmem>>, vector<1x16xf32>,
        %get3A_462 = arith.index_cast %scan3A_352 : i32 to index
        %get3A_463 = arith.constant 176 : index
        %get3A_464 = tpu.vector_load %arg6[%get3A_462, %get3A_463] {strides = array<i32>} : memref<128x256xf32, #tpu.memory_space<vmem>>, vector<1x16xf32>,
        %get3A_465 = vector.shape_cast %get3A_464 : vector<1x16xf32> to vector<16xf32>
        %add3A_466 = arith.addf %get3A_465, %get3A_323 : vector<16xf32>
        %swap3A_467 = arith.index_cast %scan3A_352 : i32 to index
        %swap3A_468 = arith.constant 176 : index
        %swap3A_469 = tpu.vector_load %arg8[%swap3A_467, %swap3A_468] {strides = array<i32>} : memref<128x256xf32, #tpu.memory_space<vmem>>, vector<1x16xf32>,
        %swap3A_470 = vector.shape_cast %swap3A_469 : vector<1x16xf32> to vector<16xf32>
        %swap3A_471 = vector.shape_cast %add3A_466 : vector<16xf32> to vector<1x16xf32>
        tpu.vector_store %arg8[%swap3A_467, %swap3A_468], %swap3A_471 {strides = array<i32>} : memref<128x256xf32, #tpu.memory_space<vmem>>, vector<1x16xf32>,
        %get3A_472 = arith.index_cast %scan3A_352 : i32 to index
        %get3A_473 = arith.constant 192 : index
        %get3A_474 = tpu.vector_load %arg6[%get3A_472, %get3A_473] {strides = array<i32>} : memref<128x256xf32, #tpu.memory_space<vmem>>, vector<1x16xf32>,
        %get3A_475 = vector.shape_cast %get3A_474 : vector<1x16xf32> to vector<16xf32>
        %add3A_476 = arith.addf %get3A_475, %get3A_327 : vector<16xf32>
        %swap3A_477 = arith.index_cast %scan3A_352 : i32 to index
        %swap3A_478 = arith.constant 192 : index
        %swap3A_479 = tpu.vector_load %arg8[%swap3A_477, %swap3A_478] {strides = array<i32>} : memref<128x256xf32, #tpu.memory_space<vmem>>, vector<1x16xf32>,
        %swap3A_480 = vector.shape_cast %swap3A_479 : vector<1x16xf32> to vector<16xf32>
        %swap3A_481 = vector.shape_cast %add3A_476 : vector<16xf32> to vector<1x16xf32>
        tpu.vector_store %arg8[%swap3A_477, %swap3A_478], %swap3A_481 {strides = array<i32>} : memref<128x256xf32, #tpu.memory_space<vmem>>, vector<1x16xf32>,
        %get3A_482 = arith.index_cast %scan3A_352 : i32 to index
        %get3A_483 = arith.constant 208 : index
        %get3A_484 = tpu.vector_load %arg6[%get3A_482, %get3A_483] {strides = array<i32>} : memref<128x256xf32, #tpu.memory_space<vmem>>, vector<1x16xf32>,
        %get3A_485 = vector.shape_cast %get3A_484 : vector<1x16xf32> to vector<16xf32>
        %add3A_486 = arith.addf %get3A_485, %get3A_331 : vector<16xf32>
        %swap3A_487 = arith.index_cast %scan3A_352 : i32 to index
        %swap3A_488 = arith.constant 208 : index
        %swap3A_489 = tpu.vector_load %arg8[%swap3A_487, %swap3A_488] {strides = array<i32>} : memref<128x256xf32, #tpu.memory_space<vmem>>, vector<1x16xf32>,
        %swap3A_490 = vector.shape_cast %swap3A_489 : vector<1x16xf32> to vector<16xf32>
        %swap3A_491 = vector.shape_cast %add3A_486 : vector<16xf32> to vector<1x16xf32>
        tpu.vector_store %arg8[%swap3A_487, %swap3A_488], %swap3A_491 {strides = array<i32>} : memref<128x256xf32, #tpu.memory_space<vmem>>, vector<1x16xf32>,
        %get3A_492 = arith.index_cast %scan3A_352 : i32 to index
        %get3A_493 = arith.constant 224 : index
        %get3A_494 = tpu.vector_load %arg6[%get3A_492, %get3A_493] {strides = array<i32>} : memref<128x256xf32, #tpu.memory_space<vmem>>, vector<1x16xf32>,
        %get3A_495 = vector.shape_cast %get3A_494 : vector<1x16xf32> to vector<16xf32>
        %add3A_496 = arith.addf %get3A_495, %get3A_335 : vector<16xf32>
        %swap3A_497 = arith.index_cast %scan3A_352 : i32 to index
        %swap3A_498 = arith.constant 224 : index
        %swap3A_499 = tpu.vector_load %arg8[%swap3A_497, %swap3A_498] {strides = array<i32>} : memref<128x256xf32, #tpu.memory_space<vmem>>, vector<1x16xf32>,
        %swap3A_500 = vector.shape_cast %swap3A_499 : vector<1x16xf32> to vector<16xf32>
        %swap3A_501 = vector.shape_cast %add3A_496 : vector<16xf32> to vector<1x16xf32>
        tpu.vector_store %arg8[%swap3A_497, %swap3A_498], %swap3A_501 {strides = array<i32>} : memref<128x256xf32, #tpu.memory_space<vmem>>, vector<1x16xf32>,
        %get3A_502 = arith.index_cast %scan3A_352 : i32 to index
        %get3A_503 = arith.constant 240 : index
        %get3A_504 = tpu.vector_load %arg6[%get3A_502, %get3A_503] {strides = array<i32>} : memref<128x256xf32, #tpu.memory_space<vmem>>, vector<1x16xf32>,
        %get3A_505 = vector.shape_cast %get3A_504 : vector<1x16xf32> to vector<16xf32>
        %add3A_506 = arith.addf %get3A_505, %get3A_339 : vector<16xf32>
        %swap3A_507 = arith.index_cast %scan3A_352 : i32 to index
        %swap3A_508 = arith.constant 240 : index
        %swap3A_509 = tpu.vector_load %arg8[%swap3A_507, %swap3A_508] {strides = array<i32>} : memref<128x256xf32, #tpu.memory_space<vmem>>, vector<1x16xf32>,
        %swap3A_510 = vector.shape_cast %swap3A_509 : vector<1x16xf32> to vector<16xf32>
        %swap3A_511 = vector.shape_cast %add3A_506 : vector<16xf32> to vector<1x16xf32>
        tpu.vector_store %arg8[%swap3A_507, %swap3A_508], %swap3A_511 {strides = array<i32>} : memref<128x256xf32, #tpu.memory_space<vmem>>, vector<1x16xf32>,
      }
      %scan3A_344 = arith.constant 128 : i32
      %add3A_345 = arith.addi %mul3A_56, %add3A_190 : i32
      %dma_start3A_346 = arith.constant 0 : i32
      %dma_start3A_347 = tpu.memref_slice %arg4[%select_n3A, %add3A_345, %mul3A_74, %dma_start3A_346] : memref<4x50x512x256xf32, #tpu.memory_space<hbm>> -> memref<1x1x128x256xf32, #tpu.memory_space<hbm>>
      %dma_start3A_348 = tpu.memref_squeeze %dma_start3A_347 : memref<1x1x128x256xf32, #tpu.memory_space<hbm>> -> memref<128x256xf32, #tpu.memory_space<hbm>>
      %dma_start3A_349 = arith.constant 0 : i32
      %dma_start3A_350 = tpu.memref_slice %arg4[%select_n3A, %add3A_345, %mul3A_74, %dma_start3A_349] : memref<4x50x512x256xf32, #tpu.memory_space<hbm>> -> memref<1x1x128x256xf32, #tpu.memory_space<hbm>>
      %dma_start3A_351 = tpu.memref_squeeze %dma_start3A_350 : memref<1x1x128x256xf32, #tpu.memory_space<hbm>> -> memref<128x256xf32, #tpu.memory_space<hbm>>
      tpu.enqueue_dma source(%arg8 : memref<128x256xf32, #tpu.memory_space<vmem>>) target(%dma_start3A_351 : memref<128x256xf32, #tpu.memory_space<hbm>>) target_semaphore(%arg10 : memref<!tpu.dma_semaphore, #tpu.memory_space<semaphore_mem>>)
    }
    %scan3A_79 = arith.constant 12 : i32
    %add3A_80 = arith.constant 24 : i32
    %add3A_81 = arith.addi %mul3A_56, %add3A_80 : i32
    %sub3A_82 = arith.constant 2 : i32
    %sub3A_83 = arith.subi %add3A_81, %sub3A_82 : i32
    %dma_wait3A = arith.constant 0 : i32
    %dma_wait3A_84 = tpu.memref_slice %arg4[%select_n3A, %sub3A_83, %mul3A_74, %dma_wait3A] : memref<4x50x512x256xf32, #tpu.memory_space<hbm>> -> memref<1x1x128x256xf32, #tpu.memory_space<hbm>>
    %dma_wait3A_85 = tpu.memref_squeeze %dma_wait3A_84 : memref<1x1x128x256xf32, #tpu.memory_space<hbm>> -> memref<128x256xf32, #tpu.memory_space<hbm>>
    %dma_wait3A_86 = arith.constant 0 : i32
    %dma_wait3A_87 = tpu.memref_slice %arg4[%select_n3A, %sub3A_83, %mul3A_74, %dma_wait3A_86] : memref<4x50x512x256xf32, #tpu.memory_space<hbm>> -> memref<1x1x128x256xf32, #tpu.memory_space<hbm>>
    %dma_wait3A_88 = tpu.memref_squeeze %dma_wait3A_87 : memref<1x1x128x256xf32, #tpu.memory_space<hbm>> -> memref<128x256xf32, #tpu.memory_space<hbm>>
    tpu.wait_dma2 semaphore(%arg9 : memref<!tpu.dma_semaphore, #tpu.memory_space<semaphore_mem>>) src(%arg7 : memref<128x256xf32, #tpu.memory_space<vmem>>) dst(%dma_wait3A_88 : memref<128x256xf32, #tpu.memory_space<hbm>>)
    %add3A_89 = arith.constant 24 : i32
    %add3A_90 = arith.addi %mul3A_56, %add3A_89 : i32
    %get3A = arith.index_cast %add3A_90 : i32 to index
    %get3A_91 = arith.constant 0 : index
    %get3A_92 = tpu.vector_load %arg5[%get3A, %get3A_91] {strides = array<i32>} : memref<50x256xf32, #tpu.memory_space<vmem>>, vector<1x16xf32>,
    %get3A_93 = vector.shape_cast %get3A_92 : vector<1x16xf32> to vector<16xf32>
    %get3A_94 = arith.index_cast %add3A_90 : i32 to index
    %get3A_95 = arith.constant 16 : index
    %get3A_96 = tpu.vector_load %arg5[%get3A_94, %get3A_95] {strides = array<i32>} : memref<50x256xf32, #tpu.memory_space<vmem>>, vector<1x16xf32>,
    %get3A_97 = vector.shape_cast %get3A_96 : vector<1x16xf32> to vector<16xf32>
    %get3A_98 = arith.index_cast %add3A_90 : i32 to index
    %get3A_99 = arith.constant 32 : index
    %get3A_100 = tpu.vector_load %arg5[%get3A_98, %get3A_99] {strides = array<i32>} : memref<50x256xf32, #tpu.memory_space<vmem>>, vector<1x16xf32>,
    %get3A_101 = vector.shape_cast %get3A_100 : vector<1x16xf32> to vector<16xf32>
    %get3A_102 = arith.index_cast %add3A_90 : i32 to index
    %get3A_103 = arith.constant 48 : index
    %get3A_104 = tpu.vector_load %arg5[%get3A_102, %get3A_103] {strides = array<i32>} : memref<50x256xf32, #tpu.memory_space<vmem>>, vector<1x16xf32>,
    %get3A_105 = vector.shape_cast %get3A_104 : vector<1x16xf32> to vector<16xf32>
    %get3A_106 = arith.index_cast %add3A_90 : i32 to index
    %get3A_107 = arith.constant 64 : index
    %get3A_108 = tpu.vector_load %arg5[%get3A_106, %get3A_107] {strides = array<i32>} : memref<50x256xf32, #tpu.memory_space<vmem>>, vector<1x16xf32>,
    %get3A_109 = vector.shape_cast %get3A_108 : vector<1x16xf32> to vector<16xf32>
    %get3A_110 = arith.index_cast %add3A_90 : i32 to index
    %get3A_111 = arith.constant 80 : index
    %get3A_112 = tpu.vector_load %arg5[%get3A_110, %get3A_111] {strides = array<i32>} : memref<50x256xf32, #tpu.memory_space<vmem>>, vector<1x16xf32>,
    %get3A_113 = vector.shape_cast %get3A_112 : vector<1x16xf32> to vector<16xf32>
    %get3A_114 = arith.index_cast %add3A_90 : i32 to index
    %get3A_115 = arith.constant 96 : index
    %get3A_116 = tpu.vector_load %arg5[%get3A_114, %get3A_115] {strides = array<i32>} : memref<50x256xf32, #tpu.memory_space<vmem>>, vector<1x16xf32>,
    %get3A_117 = vector.shape_cast %get3A_116 : vector<1x16xf32> to vector<16xf32>
    %get3A_118 = arith.index_cast %add3A_90 : i32 to index
    %get3A_119 = arith.constant 112 : index
    %get3A_120 = tpu.vector_load %arg5[%get3A_118, %get3A_119] {strides = array<i32>} : memref<50x256xf32, #tpu.memory_space<vmem>>, vector<1x16xf32>,
    %get3A_121 = vector.shape_cast %get3A_120 : vector<1x16xf32> to vector<16xf32>
    %get3A_122 = arith.index_cast %add3A_90 : i32 to index
    %get3A_123 = arith.constant 128 : index
    %get3A_124 = tpu.vector_load %arg5[%get3A_122, %get3A_123] {strides = array<i32>} : memref<50x256xf32, #tpu.memory_space<vmem>>, vector<1x16xf32>,
    %get3A_125 = vector.shape_cast %get3A_124 : vector<1x16xf32> to vector<16xf32>
    %get3A_126 = arith.index_cast %add3A_90 : i32 to index
    %get3A_127 = arith.constant 144 : index
    %get3A_128 = tpu.vector_load %arg5[%get3A_126, %get3A_127] {strides = array<i32>} : memref<50x256xf32, #tpu.memory_space<vmem>>, vector<1x16xf32>,
    %get3A_129 = vector.shape_cast %get3A_128 : vector<1x16xf32> to vector<16xf32>
    %get3A_130 = arith.index_cast %add3A_90 : i32 to index
    %get3A_131 = arith.constant 160 : index
    %get3A_132 = tpu.vector_load %arg5[%get3A_130, %get3A_131] {strides = array<i32>} : memref<50x256xf32, #tpu.memory_space<vmem>>, vector<1x16xf32>,
    %get3A_133 = vector.shape_cast %get3A_132 : vector<1x16xf32> to vector<16xf32>
    %get3A_134 = arith.index_cast %add3A_90 : i32 to index
    %get3A_135 = arith.constant 176 : index
    %get3A_136 = tpu.vector_load %arg5[%get3A_134, %get3A_135] {strides = array<i32>} : memref<50x256xf32, #tpu.memory_space<vmem>>, vector<1x16xf32>,
    %get3A_137 = vector.shape_cast %get3A_136 : vector<1x16xf32> to vector<16xf32>
    %get3A_138 = arith.index_cast %add3A_90 : i32 to index
    %get3A_139 = arith.constant 192 : index
    %get3A_140 = tpu.vector_load %arg5[%get3A_138, %get3A_139] {strides = array<i32>} : memref<50x256xf32, #tpu.memory_space<vmem>>, vector<1x16xf32>,
    %get3A_141 = vector.shape_cast %get3A_140 : vector<1x16xf32> to vector<16xf32>
    %get3A_142 = arith.index_cast %add3A_90 : i32 to index
    %get3A_143 = arith.constant 208 : index
    %get3A_144 = tpu.vector_load %arg5[%get3A_142, %get3A_143] {strides = array<i32>} : memref<50x256xf32, #tpu.memory_space<vmem>>, vector<1x16xf32>,
    %get3A_145 = vector.shape_cast %get3A_144 : vector<1x16xf32> to vector<16xf32>
    %get3A_146 = arith.index_cast %add3A_90 : i32 to index
    %get3A_147 = arith.constant 224 : index
    %get3A_148 = tpu.vector_load %arg5[%get3A_146, %get3A_147] {strides = array<i32>} : memref<50x256xf32, #tpu.memory_space<vmem>>, vector<1x16xf32>,
    %get3A_149 = vector.shape_cast %get3A_148 : vector<1x16xf32> to vector<16xf32>
    %get3A_150 = arith.index_cast %add3A_90 : i32 to index
    %get3A_151 = arith.constant 240 : index
    %get3A_152 = tpu.vector_load %arg5[%get3A_150, %get3A_151] {strides = array<i32>} : memref<50x256xf32, #tpu.memory_space<vmem>>, vector<1x16xf32>,
    %get3A_153 = vector.shape_cast %get3A_152 : vector<1x16xf32> to vector<16xf32>
    %scan3A_154 = arith.constant 0 : i32
    %scan3A_155 = arith.constant 128 : i32
    %scan3A_156 = arith.addi %scan3A_154, %scan3A_155 : i32
    %scan3A_157 = arith.constant 1 : i32
    scf.for %scan3A_184 = %scan3A_154 to %scan3A_156 step %scan3A_157  : i32 {
      %get3A_185 = arith.index_cast %scan3A_184 : i32 to index
      %get3A_186 = arith.constant 0 : index
      %get3A_187 = tpu.vector_load %arg6[%get3A_185, %get3A_186] {strides = array<i32>} : memref<128x256xf32, #tpu.memory_space<vmem>>, vector<1x16xf32>,
      %get3A_188 = vector.shape_cast %get3A_187 : vector<1x16xf32> to vector<16xf32>
      %add3A_189 = arith.addf %get3A_188, %get3A_93 : vector<16xf32>
      %swap3A = arith.index_cast %scan3A_184 : i32 to index
      %swap3A_190 = arith.constant 0 : index
      %swap3A_191 = tpu.vector_load %arg7[%swap3A, %swap3A_190] {strides = array<i32>} : memref<128x256xf32, #tpu.memory_space<vmem>>, vector<1x16xf32>,
      %swap3A_192 = vector.shape_cast %swap3A_191 : vector<1x16xf32> to vector<16xf32>
      %swap3A_193 = vector.shape_cast %add3A_189 : vector<16xf32> to vector<1x16xf32>
      tpu.vector_store %arg7[%swap3A, %swap3A_190], %swap3A_193 {strides = array<i32>} : memref<128x256xf32, #tpu.memory_space<vmem>>, vector<1x16xf32>,
      %get3A_194 = arith.index_cast %scan3A_184 : i32 to index
      %get3A_195 = arith.constant 16 : index
      %get3A_196 = tpu.vector_load %arg6[%get3A_194, %get3A_195] {strides = array<i32>} : memref<128x256xf32, #tpu.memory_space<vmem>>, vector<1x16xf32>,
      %get3A_197 = vector.shape_cast %get3A_196 : vector<1x16xf32> to vector<16xf32>
      %add3A_198 = arith.addf %get3A_197, %get3A_97 : vector<16xf32>
      %swap3A_199 = arith.index_cast %scan3A_184 : i32 to index
      %swap3A_200 = arith.constant 16 : index
      %swap3A_201 = tpu.vector_load %arg7[%swap3A_199, %swap3A_200] {strides = array<i32>} : memref<128x256xf32, #tpu.memory_space<vmem>>, vector<1x16xf32>,
      %swap3A_202 = vector.shape_cast %swap3A_201 : vector<1x16xf32> to vector<16xf32>
      %swap3A_203 = vector.shape_cast %add3A_198 : vector<16xf32> to vector<1x16xf32>
      tpu.vector_store %arg7[%swap3A_199, %swap3A_200], %swap3A_203 {strides = array<i32>} : memref<128x256xf32, #tpu.memory_space<vmem>>, vector<1x16xf32>,
      %get3A_204 = arith.index_cast %scan3A_184 : i32 to index
      %get3A_205 = arith.constant 32 : index
      %get3A_206 = tpu.vector_load %arg6[%get3A_204, %get3A_205] {strides = array<i32>} : memref<128x256xf32, #tpu.memory_space<vmem>>, vector<1x16xf32>,
      %get3A_207 = vector.shape_cast %get3A_206 : vector<1x16xf32> to vector<16xf32>
      %add3A_208 = arith.addf %get3A_207, %get3A_101 : vector<16xf32>
      %swap3A_209 = arith.index_cast %scan3A_184 : i32 to index
      %swap3A_210 = arith.constant 32 : index
      %swap3A_211 = tpu.vector_load %arg7[%swap3A_209, %swap3A_210] {strides = array<i32>} : memref<128x256xf32, #tpu.memory_space<vmem>>, vector<1x16xf32>,
      %swap3A_212 = vector.shape_cast %swap3A_211 : vector<1x16xf32> to vector<16xf32>
      %swap3A_213 = vector.shape_cast %add3A_208 : vector<16xf32> to vector<1x16xf32>
      tpu.vector_store %arg7[%swap3A_209, %swap3A_210], %swap3A_213 {strides = array<i32>} : memref<128x256xf32, #tpu.memory_space<vmem>>, vector<1x16xf32>,
      %get3A_214 = arith.index_cast %scan3A_184 : i32 to index
      %get3A_215 = arith.constant 48 : index
      %get3A_216 = tpu.vector_load %arg6[%get3A_214, %get3A_215] {strides = array<i32>} : memref<128x256xf32, #tpu.memory_space<vmem>>, vector<1x16xf32>,
      %get3A_217 = vector.shape_cast %get3A_216 : vector<1x16xf32> to vector<16xf32>
      %add3A_218 = arith.addf %get3A_217, %get3A_105 : vector<16xf32>
      %swap3A_219 = arith.index_cast %scan3A_184 : i32 to index
      %swap3A_220 = arith.constant 48 : index
      %swap3A_221 = tpu.vector_load %arg7[%swap3A_219, %swap3A_220] {strides = array<i32>} : memref<128x256xf32, #tpu.memory_space<vmem>>, vector<1x16xf32>,
      %swap3A_222 = vector.shape_cast %swap3A_221 : vector<1x16xf32> to vector<16xf32>
      %swap3A_223 = vector.shape_cast %add3A_218 : vector<16xf32> to vector<1x16xf32>
      tpu.vector_store %arg7[%swap3A_219, %swap3A_220], %swap3A_223 {strides = array<i32>} : memref<128x256xf32, #tpu.memory_space<vmem>>, vector<1x16xf32>,
      %get3A_224 = arith.index_cast %scan3A_184 : i32 to index
      %get3A_225 = arith.constant 64 : index
      %get3A_226 = tpu.vector_load %arg6[%get3A_224, %get3A_225] {strides = array<i32>} : memref<128x256xf32, #tpu.memory_space<vmem>>, vector<1x16xf32>,
      %get3A_227 = vector.shape_cast %get3A_226 : vector<1x16xf32> to vector<16xf32>
      %add3A_228 = arith.addf %get3A_227, %get3A_109 : vector<16xf32>
      %swap3A_229 = arith.index_cast %scan3A_184 : i32 to index
      %swap3A_230 = arith.constant 64 : index
      %swap3A_231 = tpu.vector_load %arg7[%swap3A_229, %swap3A_230] {strides = array<i32>} : memref<128x256xf32, #tpu.memory_space<vmem>>, vector<1x16xf32>,
      %swap3A_232 = vector.shape_cast %swap3A_231 : vector<1x16xf32> to vector<16xf32>
      %swap3A_233 = vector.shape_cast %add3A_228 : vector<16xf32> to vector<1x16xf32>
      tpu.vector_store %arg7[%swap3A_229, %swap3A_230], %swap3A_233 {strides = array<i32>} : memref<128x256xf32, #tpu.memory_space<vmem>>, vector<1x16xf32>,
      %get3A_234 = arith.index_cast %scan3A_184 : i32 to index
      %get3A_235 = arith.constant 80 : index
      %get3A_236 = tpu.vector_load %arg6[%get3A_234, %get3A_235] {strides = array<i32>} : memref<128x256xf32, #tpu.memory_space<vmem>>, vector<1x16xf32>,
      %get3A_237 = vector.shape_cast %get3A_236 : vector<1x16xf32> to vector<16xf32>
      %add3A_238 = arith.addf %get3A_237, %get3A_113 : vector<16xf32>
      %swap3A_239 = arith.index_cast %scan3A_184 : i32 to index
      %swap3A_240 = arith.constant 80 : index
      %swap3A_241 = tpu.vector_load %arg7[%swap3A_239, %swap3A_240] {strides = array<i32>} : memref<128x256xf32, #tpu.memory_space<vmem>>, vector<1x16xf32>,
      %swap3A_242 = vector.shape_cast %swap3A_241 : vector<1x16xf32> to vector<16xf32>
      %swap3A_243 = vector.shape_cast %add3A_238 : vector<16xf32> to vector<1x16xf32>
      tpu.vector_store %arg7[%swap3A_239, %swap3A_240], %swap3A_243 {strides = array<i32>} : memref<128x256xf32, #tpu.memory_space<vmem>>, vector<1x16xf32>,
      %get3A_244 = arith.index_cast %scan3A_184 : i32 to index
      %get3A_245 = arith.constant 96 : index
      %get3A_246 = tpu.vector_load %arg6[%get3A_244, %get3A_245] {strides = array<i32>} : memref<128x256xf32, #tpu.memory_space<vmem>>, vector<1x16xf32>,
      %get3A_247 = vector.shape_cast %get3A_246 : vector<1x16xf32> to vector<16xf32>
      %add3A_248 = arith.addf %get3A_247, %get3A_117 : vector<16xf32>
      %swap3A_249 = arith.index_cast %scan3A_184 : i32 to index
      %swap3A_250 = arith.constant 96 : index
      %swap3A_251 = tpu.vector_load %arg7[%swap3A_249, %swap3A_250] {strides = array<i32>} : memref<128x256xf32, #tpu.memory_space<vmem>>, vector<1x16xf32>,
      %swap3A_252 = vector.shape_cast %swap3A_251 : vector<1x16xf32> to vector<16xf32>
      %swap3A_253 = vector.shape_cast %add3A_248 : vector<16xf32> to vector<1x16xf32>
      tpu.vector_store %arg7[%swap3A_249, %swap3A_250], %swap3A_253 {strides = array<i32>} : memref<128x256xf32, #tpu.memory_space<vmem>>, vector<1x16xf32>,
      %get3A_254 = arith.index_cast %scan3A_184 : i32 to index
      %get3A_255 = arith.constant 112 : index
      %get3A_256 = tpu.vector_load %arg6[%get3A_254, %get3A_255] {strides = array<i32>} : memref<128x256xf32, #tpu.memory_space<vmem>>, vector<1x16xf32>,
      %get3A_257 = vector.shape_cast %get3A_256 : vector<1x16xf32> to vector<16xf32>
      %add3A_258 = arith.addf %get3A_257, %get3A_121 : vector<16xf32>
      %swap3A_259 = arith.index_cast %scan3A_184 : i32 to index
      %swap3A_260 = arith.constant 112 : index
      %swap3A_261 = tpu.vector_load %arg7[%swap3A_259, %swap3A_260] {strides = array<i32>} : memref<128x256xf32, #tpu.memory_space<vmem>>, vector<1x16xf32>,
      %swap3A_262 = vector.shape_cast %swap3A_261 : vector<1x16xf32> to vector<16xf32>
      %swap3A_263 = vector.shape_cast %add3A_258 : vector<16xf32> to vector<1x16xf32>
      tpu.vector_store %arg7[%swap3A_259, %swap3A_260], %swap3A_263 {strides = array<i32>} : memref<128x256xf32, #tpu.memory_space<vmem>>, vector<1x16xf32>,
      %get3A_264 = arith.index_cast %scan3A_184 : i32 to index
      %get3A_265 = arith.constant 128 : index
      %get3A_266 = tpu.vector_load %arg6[%get3A_264, %get3A_265] {strides = array<i32>} : memref<128x256xf32, #tpu.memory_space<vmem>>, vector<1x16xf32>,
      %get3A_267 = vector.shape_cast %get3A_266 : vector<1x16xf32> to vector<16xf32>
      %add3A_268 = arith.addf %get3A_267, %get3A_125 : vector<16xf32>
      %swap3A_269 = arith.index_cast %scan3A_184 : i32 to index
      %swap3A_270 = arith.constant 128 : index
      %swap3A_271 = tpu.vector_load %arg7[%swap3A_269, %swap3A_270] {strides = array<i32>} : memref<128x256xf32, #tpu.memory_space<vmem>>, vector<1x16xf32>,
      %swap3A_272 = vector.shape_cast %swap3A_271 : vector<1x16xf32> to vector<16xf32>
      %swap3A_273 = vector.shape_cast %add3A_268 : vector<16xf32> to vector<1x16xf32>
      tpu.vector_store %arg7[%swap3A_269, %swap3A_270], %swap3A_273 {strides = array<i32>} : memref<128x256xf32, #tpu.memory_space<vmem>>, vector<1x16xf32>,
      %get3A_274 = arith.index_cast %scan3A_184 : i32 to index
      %get3A_275 = arith.constant 144 : index
      %get3A_276 = tpu.vector_load %arg6[%get3A_274, %get3A_275] {strides = array<i32>} : memref<128x256xf32, #tpu.memory_space<vmem>>, vector<1x16xf32>,
      %get3A_277 = vector.shape_cast %get3A_276 : vector<1x16xf32> to vector<16xf32>
      %add3A_278 = arith.addf %get3A_277, %get3A_129 : vector<16xf32>
      %swap3A_279 = arith.index_cast %scan3A_184 : i32 to index
      %swap3A_280 = arith.constant 144 : index
      %swap3A_281 = tpu.vector_load %arg7[%swap3A_279, %swap3A_280] {strides = array<i32>} : memref<128x256xf32, #tpu.memory_space<vmem>>, vector<1x16xf32>,
      %swap3A_282 = vector.shape_cast %swap3A_281 : vector<1x16xf32> to vector<16xf32>
      %swap3A_283 = vector.shape_cast %add3A_278 : vector<16xf32> to vector<1x16xf32>
      tpu.vector_store %arg7[%swap3A_279, %swap3A_280], %swap3A_283 {strides = array<i32>} : memref<128x256xf32, #tpu.memory_space<vmem>>, vector<1x16xf32>,
      %get3A_284 = arith.index_cast %scan3A_184 : i32 to index
      %get3A_285 = arith.constant 160 : index
      %get3A_286 = tpu.vector_load %arg6[%get3A_284, %get3A_285] {strides = array<i32>} : memref<128x256xf32, #tpu.memory_space<vmem>>, vector<1x16xf32>,
      %get3A_287 = vector.shape_cast %get3A_286 : vector<1x16xf32> to vector<16xf32>
      %add3A_288 = arith.addf %get3A_287, %get3A_133 : vector<16xf32>
      %swap3A_289 = arith.index_cast %scan3A_184 : i32 to index
      %swap3A_290 = arith.constant 160 : index
      %swap3A_291 = tpu.vector_load %arg7[%swap3A_289, %swap3A_290] {strides = array<i32>} : memref<128x256xf32, #tpu.memory_space<vmem>>, vector<1x16xf32>,
      %swap3A_292 = vector.shape_cast %swap3A_291 : vector<1x16xf32> to vector<16xf32>
      %swap3A_293 = vector.shape_cast %add3A_288 : vector<16xf32> to vector<1x16xf32>
      tpu.vector_store %arg7[%swap3A_289, %swap3A_290], %swap3A_293 {strides = array<i32>} : memref<128x256xf32, #tpu.memory_space<vmem>>, vector<1x16xf32>,
      %get3A_294 = arith.index_cast %scan3A_184 : i32 to index
      %get3A_295 = arith.constant 176 : index
      %get3A_296 = tpu.vector_load %arg6[%get3A_294, %get3A_295] {strides = array<i32>} : memref<128x256xf32, #tpu.memory_space<vmem>>, vector<1x16xf32>,
      %get3A_297 = vector.shape_cast %get3A_296 : vector<1x16xf32> to vector<16xf32>
      %add3A_298 = arith.addf %get3A_297, %get3A_137 : vector<16xf32>
      %swap3A_299 = arith.index_cast %scan3A_184 : i32 to index
      %swap3A_300 = arith.constant 176 : index
      %swap3A_301 = tpu.vector_load %arg7[%swap3A_299, %swap3A_300] {strides = array<i32>} : memref<128x256xf32, #tpu.memory_space<vmem>>, vector<1x16xf32>,
      %swap3A_302 = vector.shape_cast %swap3A_301 : vector<1x16xf32> to vector<16xf32>
      %swap3A_303 = vector.shape_cast %add3A_298 : vector<16xf32> to vector<1x16xf32>
      tpu.vector_store %arg7[%swap3A_299, %swap3A_300], %swap3A_303 {strides = array<i32>} : memref<128x256xf32, #tpu.memory_space<vmem>>, vector<1x16xf32>,
      %get3A_304 = arith.index_cast %scan3A_184 : i32 to index
      %get3A_305 = arith.constant 192 : index
      %get3A_306 = tpu.vector_load %arg6[%get3A_304, %get3A_305] {strides = array<i32>} : memref<128x256xf32, #tpu.memory_space<vmem>>, vector<1x16xf32>,
      %get3A_307 = vector.shape_cast %get3A_306 : vector<1x16xf32> to vector<16xf32>
      %add3A_308 = arith.addf %get3A_307, %get3A_141 : vector<16xf32>
      %swap3A_309 = arith.index_cast %scan3A_184 : i32 to index
      %swap3A_310 = arith.constant 192 : index
      %swap3A_311 = tpu.vector_load %arg7[%swap3A_309, %swap3A_310] {strides = array<i32>} : memref<128x256xf32, #tpu.memory_space<vmem>>, vector<1x16xf32>,
      %swap3A_312 = vector.shape_cast %swap3A_311 : vector<1x16xf32> to vector<16xf32>
      %swap3A_313 = vector.shape_cast %add3A_308 : vector<16xf32> to vector<1x16xf32>
      tpu.vector_store %arg7[%swap3A_309, %swap3A_310], %swap3A_313 {strides = array<i32>} : memref<128x256xf32, #tpu.memory_space<vmem>>, vector<1x16xf32>,
      %get3A_314 = arith.index_cast %scan3A_184 : i32 to index
      %get3A_315 = arith.constant 208 : index
      %get3A_316 = tpu.vector_load %arg6[%get3A_314, %get3A_315] {strides = array<i32>} : memref<128x256xf32, #tpu.memory_space<vmem>>, vector<1x16xf32>,
      %get3A_317 = vector.shape_cast %get3A_316 : vector<1x16xf32> to vector<16xf32>
      %add3A_318 = arith.addf %get3A_317, %get3A_145 : vector<16xf32>
      %swap3A_319 = arith.index_cast %scan3A_184 : i32 to index
      %swap3A_320 = arith.constant 208 : index
      %swap3A_321 = tpu.vector_load %arg7[%swap3A_319, %swap3A_320] {strides = array<i32>} : memref<128x256xf32, #tpu.memory_space<vmem>>, vector<1x16xf32>,
      %swap3A_322 = vector.shape_cast %swap3A_321 : vector<1x16xf32> to vector<16xf32>
      %swap3A_323 = vector.shape_cast %add3A_318 : vector<16xf32> to vector<1x16xf32>
      tpu.vector_store %arg7[%swap3A_319, %swap3A_320], %swap3A_323 {strides = array<i32>} : memref<128x256xf32, #tpu.memory_space<vmem>>, vector<1x16xf32>,
      %get3A_324 = arith.index_cast %scan3A_184 : i32 to index
      %get3A_325 = arith.constant 224 : index
      %get3A_326 = tpu.vector_load %arg6[%get3A_324, %get3A_325] {strides = array<i32>} : memref<128x256xf32, #tpu.memory_space<vmem>>, vector<1x16xf32>,
      %get3A_327 = vector.shape_cast %get3A_326 : vector<1x16xf32> to vector<16xf32>
      %add3A_328 = arith.addf %get3A_327, %get3A_149 : vector<16xf32>
      %swap3A_329 = arith.index_cast %scan3A_184 : i32 to index
      %swap3A_330 = arith.constant 224 : index
      %swap3A_331 = tpu.vector_load %arg7[%swap3A_329, %swap3A_330] {strides = array<i32>} : memref<128x256xf32, #tpu.memory_space<vmem>>, vector<1x16xf32>,
      %swap3A_332 = vector.shape_cast %swap3A_331 : vector<1x16xf32> to vector<16xf32>
      %swap3A_333 = vector.shape_cast %add3A_328 : vector<16xf32> to vector<1x16xf32>
      tpu.vector_store %arg7[%swap3A_329, %swap3A_330], %swap3A_333 {strides = array<i32>} : memref<128x256xf32, #tpu.memory_space<vmem>>, vector<1x16xf32>,
      %get3A_334 = arith.index_cast %scan3A_184 : i32 to index
      %get3A_335 = arith.constant 240 : index
      %get3A_336 = tpu.vector_load %arg6[%get3A_334, %get3A_335] {strides = array<i32>} : memref<128x256xf32, #tpu.memory_space<vmem>>, vector<1x16xf32>,
      %get3A_337 = vector.shape_cast %get3A_336 : vector<1x16xf32> to vector<16xf32>
      %add3A_338 = arith.addf %get3A_337, %get3A_153 : vector<16xf32>
      %swap3A_339 = arith.index_cast %scan3A_184 : i32 to index
      %swap3A_340 = arith.constant 240 : index
      %swap3A_341 = tpu.vector_load %arg7[%swap3A_339, %swap3A_340] {strides = array<i32>} : memref<128x256xf32, #tpu.memory_space<vmem>>, vector<1x16xf32>,
      %swap3A_342 = vector.shape_cast %swap3A_341 : vector<1x16xf32> to vector<16xf32>
      %swap3A_343 = vector.shape_cast %add3A_338 : vector<16xf32> to vector<1x16xf32>
      tpu.vector_store %arg7[%swap3A_339, %swap3A_340], %swap3A_343 {strides = array<i32>} : memref<128x256xf32, #tpu.memory_space<vmem>>, vector<1x16xf32>,
    }
    %scan3A_158 = arith.constant 128 : i32
    %add3A_159 = arith.constant 24 : i32
    %add3A_160 = arith.addi %mul3A_56, %add3A_159 : i32
    %dma_start3A = arith.constant 0 : i32
    %dma_start3A_161 = tpu.memref_slice %arg4[%select_n3A, %add3A_160, %mul3A_74, %dma_start3A] : memref<4x50x512x256xf32, #tpu.memory_space<hbm>> -> memref<1x1x128x256xf32, #tpu.memory_space<hbm>>
    %dma_start3A_162 = tpu.memref_squeeze %dma_start3A_161 : memref<1x1x128x256xf32, #tpu.memory_space<hbm>> -> memref<128x256xf32, #tpu.memory_space<hbm>>
    %dma_start3A_163 = arith.constant 0 : i32
    %dma_start3A_164 = tpu.memref_slice %arg4[%select_n3A, %add3A_160, %mul3A_74, %dma_start3A_163] : memref<4x50x512x256xf32, #tpu.memory_space<hbm>> -> memref<1x1x128x256xf32, #tpu.memory_space<hbm>>
    %dma_start3A_165 = tpu.memref_squeeze %dma_start3A_164 : memref<1x1x128x256xf32, #tpu.memory_space<hbm>> -> memref<128x256xf32, #tpu.memory_space<hbm>>
    tpu.enqueue_dma source(%arg7 : memref<128x256xf32, #tpu.memory_space<vmem>>) target(%dma_start3A_165 : memref<128x256xf32, #tpu.memory_space<hbm>>) target_semaphore(%arg9 : memref<!tpu.dma_semaphore, #tpu.memory_space<semaphore_mem>>)
    %add3A_166 = arith.constant 24 : i32
    %add3A_167 = arith.addi %mul3A_56, %add3A_166 : i32
    %dma_wait3A_168 = arith.constant 0 : i32
    %dma_wait3A_169 = tpu.memref_slice %arg4[%select_n3A, %add3A_167, %mul3A_74, %dma_wait3A_168] : memref<4x50x512x256xf32, #tpu.memory_space<hbm>> -> memref<1x1x128x256xf32, #tpu.memory_space<hbm>>
    %dma_wait3A_170 = tpu.memref_squeeze %dma_wait3A_169 : memref<1x1x128x256xf32, #tpu.memory_space<hbm>> -> memref<128x256xf32, #tpu.memory_space<hbm>>
    %dma_wait3A_171 = arith.constant 0 : i32
    %dma_wait3A_172 = tpu.memref_slice %arg4[%select_n3A, %add3A_167, %mul3A_74, %dma_wait3A_171] : memref<4x50x512x256xf32, #tpu.memory_space<hbm>> -> memref<1x1x128x256xf32, #tpu.memory_space<hbm>>
    %dma_wait3A_173 = tpu.memref_squeeze %dma_wait3A_172 : memref<1x1x128x256xf32, #tpu.memory_space<hbm>> -> memref<128x256xf32, #tpu.memory_space<hbm>>
    tpu.wait_dma2 semaphore(%arg9 : memref<!tpu.dma_semaphore, #tpu.memory_space<semaphore_mem>>) src(%arg7 : memref<128x256xf32, #tpu.memory_space<vmem>>) dst(%dma_wait3A_173 : memref<128x256xf32, #tpu.memory_space<hbm>>)
    %add3A_174 = arith.constant 24 : i32
    %add3A_175 = arith.addi %mul3A_56, %add3A_174 : i32
    %sub3A_176 = arith.constant 1 : i32
    %sub3A_177 = arith.subi %add3A_175, %sub3A_176 : i32
    %dma_wait3A_178 = arith.constant 0 : i32
    %dma_wait3A_179 = tpu.memref_slice %arg4[%select_n3A, %sub3A_177, %mul3A_74, %dma_wait3A_178] : memref<4x50x512x256xf32, #tpu.memory_space<hbm>> -> memref<1x1x128x256xf32, #tpu.memory_space<hbm>>
    %dma_wait3A_180 = tpu.memref_squeeze %dma_wait3A_179 : memref<1x1x128x256xf32, #tpu.memory_space<hbm>> -> memref<128x256xf32, #tpu.memory_space<hbm>>
    %dma_wait3A_181 = arith.constant 0 : i32
    %dma_wait3A_182 = tpu.memref_slice %arg4[%select_n3A, %sub3A_177, %mul3A_74, %dma_wait3A_181] : memref<4x50x512x256xf32, #tpu.memory_space<hbm>> -> memref<1x1x128x256xf32, #tpu.memory_space<hbm>>
    %dma_wait3A_183 = tpu.memref_squeeze %dma_wait3A_182 : memref<1x1x128x256xf32, #tpu.memory_space<hbm>> -> memref<128x256xf32, #tpu.memory_space<hbm>>
    tpu.wait_dma2 semaphore(%arg10 : memref<!tpu.dma_semaphore, #tpu.memory_space<semaphore_mem>>) src(%arg8 : memref<128x256xf32, #tpu.memory_space<vmem>>) dst(%dma_wait3A_183 : memref<128x256xf32, #tpu.memory_space<hbm>>)
    return
  }
}

module attributes {stable_mosaic.version = 14 : i64} {
  func.func @_logsoftmax_body(%arg0: i32, %arg1: memref<1x512x256xf32, #tpu.memory_space<vmem>>, %arg2: memref<1x50x256xf32, #tpu.memory_space<vmem>>, %arg3: memref<1x512x256xf32, #tpu.memory_space<vmem>>, %arg4: memref<1x50x256xf32, #tpu.memory_space<vmem>>) attributes {dimension_semantics = [#tpu.dimension_semantics<arbitrary>], iteration_bounds = array<i64: 4>, scalar_prefetch = 0 : i64, scratch_operands = 0 : i64, tpu.core_type = #tpu.core_type<tc>, window_params = [{transform_indices = @transform_0, window_bounds = array<i64: 1, 512, 256>}, {transform_indices = @transform_1, window_bounds = array<i64: 1, 50, 256>}, {transform_indices = @transform_2, window_bounds = array<i64: 1, 512, 256>}, {transform_indices = @transform_3, window_bounds = array<i64: 1, 50, 256>}]} {
    %get3A = arith.constant 0 : index
    %get3A_0 = arith.constant 0 : index
    %get3A_1 = arith.constant 0 : index
    %get3A_2 = vector.load %arg1[%get3A, %get3A_0, %get3A_1] : memref<1x512x256xf32, #tpu.memory_space<vmem>>, vector<1x512x256xf32>
    %get3A_3 = vector.shape_cast %get3A_2 : vector<1x512x256xf32> to vector<512x256xf32>
    %reduce_max3A = arith.constant dense<0xFF800000> : vector<512xf32>
    %reduce_max3A_4 = vector.multi_reduction <maximumf>, %get3A_3, %reduce_max3A [1] : vector<512x256xf32> to vector<512xf32>
    %broadcast_in_dim3A = vector.shape_cast %reduce_max3A_4 : vector<512xf32> to vector<512x1xf32>
    %sub3A = vector.broadcast %broadcast_in_dim3A : vector<512x1xf32> to vector<512x256xf32>
    %sub3A_5 = arith.subf %get3A_3, %sub3A : vector<512x256xf32>
    %sub3A_6 = vector.broadcast %broadcast_in_dim3A : vector<512x1xf32> to vector<512x256xf32>
    %sub3A_7 = arith.subf %get3A_3, %sub3A_6 : vector<512x256xf32>
    %exp3A = math.exp %sub3A_7 : vector<512x256xf32>
    %reduce_sum3A = arith.constant dense<0.000000e+00> : vector<512xf32>
    %reduce_sum3A_8 = vector.multi_reduction <add>, %exp3A, %reduce_sum3A [1] : vector<512x256xf32> to vector<512xf32>
    %broadcast_in_dim3A_9 = vector.shape_cast %reduce_sum3A_8 : vector<512xf32> to vector<512x1xf32>
    %log3A = math.log %broadcast_in_dim3A_9 : vector<512x1xf32>
    %sub3A_10 = vector.broadcast %log3A : vector<512x1xf32> to vector<512x256xf32>
    %sub3A_11 = arith.subf %sub3A_5, %sub3A_10 : vector<512x256xf32>
    %swap3A = arith.constant 0 : index
    %swap3A_12 = arith.constant 0 : index
    %swap3A_13 = arith.constant 0 : index
    %swap3A_14 = vector.load %arg3[%swap3A, %swap3A_12, %swap3A_13] : memref<1x512x256xf32, #tpu.memory_space<vmem>>, vector<1x512x256xf32>
    %swap3A_15 = vector.shape_cast %swap3A_14 : vector<1x512x256xf32> to vector<512x256xf32>
    %swap3A_16 = vector.shape_cast %sub3A_11 : vector<512x256xf32> to vector<1x512x256xf32>
    tpu.vector_store %arg3[%swap3A, %swap3A_12, %swap3A_13], %swap3A_16 {strides = array<i32>} : memref<1x512x256xf32, #tpu.memory_space<vmem>>, vector<1x512x256xf32>,
    %get3A_17 = arith.constant 0 : index
    %get3A_18 = arith.constant 0 : index
    %get3A_19 = arith.constant 0 : index
    %get3A_20 = vector.load %arg2[%get3A_17, %get3A_18, %get3A_19] : memref<1x50x256xf32, #tpu.memory_space<vmem>>, vector<1x50x256xf32>
    %get3A_21 = vector.shape_cast %get3A_20 : vector<1x50x256xf32> to vector<50x256xf32>
    %reduce_max3A_22 = arith.constant dense<0xFF800000> : vector<50xf32>
    %reduce_max3A_23 = vector.multi_reduction <maximumf>, %get3A_21, %reduce_max3A_22 [1] : vector<50x256xf32> to vector<50xf32>
    %broadcast_in_dim3A_24 = vector.shape_cast %reduce_max3A_23 : vector<50xf32> to vector<50x1xf32>
    %sub3A_25 = vector.broadcast %broadcast_in_dim3A_24 : vector<50x1xf32> to vector<50x256xf32>
    %sub3A_26 = arith.subf %get3A_21, %sub3A_25 : vector<50x256xf32>
    %sub3A_27 = vector.broadcast %broadcast_in_dim3A_24 : vector<50x1xf32> to vector<50x256xf32>
    %sub3A_28 = arith.subf %get3A_21, %sub3A_27 : vector<50x256xf32>
    %exp3A_29 = math.exp %sub3A_28 : vector<50x256xf32>
    %reduce_sum3A_30 = arith.constant dense<0.000000e+00> : vector<50xf32>
    %reduce_sum3A_31 = vector.multi_reduction <add>, %exp3A_29, %reduce_sum3A_30 [1] : vector<50x256xf32> to vector<50xf32>
    %broadcast_in_dim3A_32 = vector.shape_cast %reduce_sum3A_31 : vector<50xf32> to vector<50x1xf32>
    %log3A_33 = math.log %broadcast_in_dim3A_32 : vector<50x1xf32>
    %sub3A_34 = vector.broadcast %log3A_33 : vector<50x1xf32> to vector<50x256xf32>
    %sub3A_35 = arith.subf %sub3A_26, %sub3A_34 : vector<50x256xf32>
    %iota3A = tpu.iota {dimensions = array<i32: 1>} : vector<50x256xi32>
    %eq3A = arith.constant 0 : i32
    %eq3A_36 = vector.broadcast %eq3A : i32 to vector<50x256xi32>
    %eq3A_37 = arith.cmpi eq, %iota3A, %eq3A_36 : vector<50x256xi32>
    %jit3A = arith.constant 0.000000e+00 : f32
    %broadcast_in_dim3A_38 = vector.broadcast %jit3A : f32 to vector<50x256xf32>
    %select_n3A = arith.select %eq3A_37, %broadcast_in_dim3A_38, %sub3A_35 : vector<50x256xi1>, vector<50x256xf32>
    %swap3A_39 = arith.constant 0 : index
    %swap3A_40 = arith.constant 0 : index
    %swap3A_41 = arith.constant 0 : index
    %swap3A_42 = vector.load %arg4[%swap3A_39, %swap3A_40, %swap3A_41] : memref<1x50x256xf32, #tpu.memory_space<vmem>>, vector<1x50x256xf32>
    %swap3A_43 = vector.shape_cast %swap3A_42 : vector<1x50x256xf32> to vector<50x256xf32>
    %swap3A_44 = vector.shape_cast %select_n3A : vector<50x256xf32> to vector<1x50x256xf32>
    tpu.vector_store %arg4[%swap3A_39, %swap3A_40, %swap3A_41], %swap3A_44 {strides = array<i32>} : memref<1x50x256xf32, #tpu.memory_space<vmem>>, vector<1x50x256xf32>,
    return
  }
  func.func @transform_0(%arg0: i32) -> (i32, i32, i32) {
    %c0_i32 = arith.constant 0 : i32
    %c0_i32_0 = arith.constant 0 : i32
    %c0_i32_1 = arith.constant 0 : i32
    return %arg0, %c0_i32, %c0_i32_0 : i32, i32, i32
  }
  func.func @transform_1(%arg0: i32) -> (i32, i32, i32) {
    %c0_i32 = arith.constant 0 : i32
    %c0_i32_0 = arith.constant 0 : i32
    %c0_i32_1 = arith.constant 0 : i32
    return %arg0, %c0_i32, %c0_i32_0 : i32, i32, i32
  }
  func.func @transform_2(%arg0: i32) -> (i32, i32, i32) {
    %c0_i32 = arith.constant 0 : i32
    %c0_i32_0 = arith.constant 0 : i32
    %c0_i32_1 = arith.constant 0 : i32
    return %arg0, %c0_i32, %c0_i32_0 : i32, i32, i32
  }
  func.func @transform_3(%arg0: i32) -> (i32, i32, i32) {
    %c0_i32 = arith.constant 0 : i32
    %c0_i32_0 = arith.constant 0 : i32
    %c0_i32_1 = arith.constant 0 : i32
    return %arg0, %c0_i32, %c0_i32_0 : i32, i32, i32
  }
}

</mosaic_0001>

<sc_bundles>
// kernel: kernel.4.cloned.1.call-start
scs
__scs_entry_jumppad:
0x0: {  	(pc) =	sbr.rel $0x88, $3  }
0x1: {  	(tag) =	ssettag $0x0;
	lr =	simm.s32 $0x1  }
0x2: {  	[smem:$0x3F9F] =	sst lr;
	_ =	strace $0xD0000000  }
0x3: {  	_ = 	snop  }
0x4: {  	_ = 	snop  }
0x5: {  	_ = 	snop  }
0x6: {  	_ = 	snop  }
0x7: {  	_ = 	snop  }
__scs_overlays_trampoline_lowered:
0x8: {  	[smem:$0x3FAE] =	sst s0  }
0x9: {  	[smem:$0x3FAF] =	sst s1  }
0xa: {  	[smem:$0x3FB0] =	sst s2  }
0xb: {  	[smem:$0x3FB1] =	sst s3  }
0xc: {  	[smem:$0x3FB2] =	sst s4  }
0xd: {  	[smem:$0x3FB3] =	sst s5  }
0xe: {  	[smem:$0x3FB4] =	sst s6  }
0xf: {  	[smem:$0x3FB5] =	sst s7  }
0x10: {  	[smem:$0x3FB6] =	sst s8  }
0x11: {  	[smem:$0x3FB7] =	sst s9;
	s0 =	simm.s32 @!p0 $0x0  }
0x12: {  	s1 =	sld [smem:$0x3F9D];
	s0 =	simm.s32 @p0 $0x1  }
0x13: {  	[smem:$0x3FB8] =	sst s0;
	s0 =	simm.s32 @!p1 $0x0  }
0x14: {  	s2 =	sld [smem:$0x3F9C];
	s0 =	simm.s32 @p1 $0x1  }
0x15: {  	[smem:$0x3FB9] =	sst s0;
	s0 =	simm.s32 @!p2 $0x0  }
0x16: {  	s3 =	sld [smem:$0x3FDB];
	s0 =	simm.s32 @p2 $0x1  }
0x17: {  	s4 =	simm.s32 $0x1BF5;
	[smem:$0x3FBB] =	sst s0  }
0x18: {  	s0 =	sld [smem:$0x3F9E];
	_ =	swait.ge [sflag:s4], $0x0  }
0x19: {  	s7 =	sld [smem:$0x3F9F]  }
0x1a: {  	s8 =	sadd.s32 $0xFFFFE003, lr  }
0x1b: {  	s9 =	sadd.s32 $0xFFFFFEF7, lr;
	s5 =	simm.s32 $0xFFFFFFFF;
	p2 =	slt.u32 s8, $0xFFFFF086  }
0x1c: {  	p1 =	slt.u32 s9, $0xF7A;
	s5 =	simm.s32 @!p2 $0x0  }
0x1d: {  	s5 =	simm.s32 @p1 $0x1;
	p0 =	seq.s32 s7, s2  }
0x1e: {  	s7 =	smul.u32 @!p0 $0xF7A, s2;
	p2 =	seq.s32 @!p0 s5, $0x0  }
0x1f: {  	s9 =	smul.u32 $0xF7A, s1;
	s8 =	simm.s32 @!p0 $0x1BF5;
	p2 =	por !p2, p0  }
0x20: {  	[sflag:s8] =	ssyncset.s32 @!p0 $0xFFFFF086;
	s6 =	sadd.s32 @!p0 s3, s7;
	s7 =	simm.s32 @!p0 $0x108  }
0x21: {  	s3 =	sadd.s32 s3, s9;
	s6 =	sadd.s32 @!p0 $0x88, s6;
	s7 =	simm.s32 @p2 $0x1082  }
0x22: {  	[simem:s7], [sflag:s8] =	dma.local @!p0 [hbm:s6], $0xF7A  }
0x23: {  	s9 =	sor.u32 $0xD0000000, s2;
	s6 =	simm.s32 $0x108;
	_ =	swait.ge @!p0 [sflag:s8], $0x0  }
0x24: {  	s3 =	sadd.s32 $0x88, s3;
	s6 =	simm.s32 @!p1 $0x1082;
	[sflag:s4] =	ssyncset.s32 $0xFFFFF086  }
0x25: {  	[simem:s6], [sflag:s4] =	dma.local [hbm:s3], $0xF7A  }
0x26: {  	[smem:$0x3F9F] =	sst s1;
	(tag) =	ssettag s2;
	_ =	strace s9  }
0x27: {  	s1 =	sld [smem:$0x3FAF]  }
0x28: {  	s2 =	sld [smem:$0x3FB0]  }
0x29: {  	s4 =	sld [smem:$0x3FB2]  }
0x2a: {  	p0 =	seq.s32 s5, $0x0;
	s5 =	sld [smem:$0x3FB3]  }
0x2b: {  	s6 =	sld [smem:$0x3FB4]  }
0x2c: {  	s7 =	sld [smem:$0x3FB5]  }
0x2d: {  	s3 =	simm.s32 $0x108;
	s8 =	sld [smem:$0x3FB6]  }
0x2e: {  	s3 =	simm.s32 @!p0 $0x1082;
	s9 =	sld [smem:$0x3FB7]  }
0x2f: {  	lr =	sadd.s32 s0, s3;
	s0 =	sld [smem:$0x3FAE]  }
0x30: {  	s3 =	sld [smem:$0x3FB1]  }
0x31: {  	[smem:$0x3FBA] =	sst s10  }
0x32: {  	s10 =	sld [smem:$0x3FB8];
	_ =	sdelay $0x3  }
0x33: {  	p0 =	seq.s32 s10, $0x1;
	s10 =	sld [smem:$0x3FBA];
	_ =	sdelay $0x3  }
0x34: {  	[smem:$0x3FBA] =	sst s10  }
0x35: {  	s10 =	sld [smem:$0x3FB9];
	_ =	sdelay $0x3  }
0x36: {  	p1 =	seq.s32 s10, $0x1;
	s10 =	sld [smem:$0x3FBA];
	_ =	sdelay $0x3  }
0x37: {  	[smem:$0x3FBA] =	sst s10  }
0x38: {  	s10 =	sld [smem:$0x3FBB]  }
0x39: {  	_ = 	snop;
	(pc) =	sbr.ind lr, $3  }
0x3a: {  	_ = 	snop  }
0x3b: {  	_ = 	snop  }
0x3c: {  	p2 =	seq.s32 s10, $0x1;
	s10 =	sld [smem:$0x3FBA]  }
0x3d: {  	_ =	shalt  }
0x3e: {  	_ =	shalt  }
0x3f: {  	_ =	shalt  }
0x40: {  	_ =	shalt  }
0x41: {  	_ =	shalt  }
0x42: {  	_ =	shalt  }
0x43: {  	_ =	shalt  }
0x44: {  	_ =	shalt  }
0x45: {  	_ =	shalt  }
0x46: {  	_ =	shalt  }
0x47: {  	_ =	shalt  }
0x48: {  	_ =	shalt  }
0x49: {  	_ =	shalt  }
0x4a: {  	_ =	shalt  }
0x4b: {  	_ =	shalt  }
0x4c: {  	_ =	shalt  }
0x4d: {  	_ =	shalt  }
0x4e: {  	_ =	shalt  }
0x4f: {  	_ =	shalt  }
0x50: {  	_ =	shalt  }
0x51: {  	_ =	shalt  }
0x52: {  	_ =	shalt  }
0x53: {  	_ =	shalt  }
0x54: {  	_ =	shalt  }
0x55: {  	_ =	shalt  }
0x56: {  	_ =	shalt  }
0x57: {  	_ =	shalt  }
0x58: {  	_ =	shalt  }
0x59: {  	_ =	shalt  }
0x5a: {  	_ =	shalt  }
0x5b: {  	_ =	shalt  }
0x5c: {  	_ =	shalt  }
0x5d: {  	_ =	shalt  }
0x5e: {  	_ =	shalt  }
0x5f: {  	_ =	shalt  }
0x60: {  	_ =	shalt  }
0x61: {  	_ =	shalt  }
0x62: {  	_ =	shalt  }
0x63: {  	_ =	shalt  }
0x64: {  	_ =	shalt  }
0x65: {  	_ =	shalt  }
0x66: {  	_ =	shalt  }
0x67: {  	_ =	shalt  }
0x68: {  	_ =	shalt  }
0x69: {  	_ =	shalt  }
0x6a: {  	_ =	shalt  }
0x6b: {  	_ =	shalt  }
0x6c: {  	_ =	shalt  }
0x6d: {  	_ =	shalt  }
0x6e: {  	_ =	shalt  }
0x6f: {  	_ =	shalt  }
0x70: {  	_ =	shalt  }
0x71: {  	_ =	shalt  }
0x72: {  	_ =	shalt  }
0x73: {  	_ =	shalt  }
0x74: {  	_ =	shalt  }
0x75: {  	_ =	shalt  }
0x76: {  	_ =	shalt  }
0x77: {  	_ =	shalt  }
0x78: {  	_ =	shalt  }
0x79: {  	_ =	shalt  }
0x7a: {  	_ =	shalt  }
0x7b: {  	_ =	shalt  }
0x7c: {  	_ =	shalt  }
0x7d: {  	_ =	shalt  }
0x7e: {  	_ =	shalt  }
0x7f: {  	_ =	shalt  }
0x80: {  	_ =	shalt  }
0x81: {  	_ =	shalt  }
0x82: {  	_ =	shalt  }
0x83: {  	_ =	shalt  }
0x84: {  	_ =	shalt  }
0x85: {  	_ =	shalt  }
0x86: {  	_ =	shalt  }
0x87: {  	_ =	shalt  }
.Lfunc_end0:
.L_simem_size_0:
called_computation_lowered:
.L_overlay_start_0:
0x88: {  	s2 =	sld [smem:$0x3FD9]  }
0x89: {  	s3 =	sld [smem:$0x3FFE];
	_ =	sdelay $0x1  }
0x8a: {  	s1 =	srdreg.scid  }
0x8b: {  	s0 =	sand.u32 $0x1, s1  }
0x8c: {  	s17 =	sshll.u32 s0, $0xA;
	s2 =	sadd.s32 s3, s2  }
0x8d: {  	s2 =	sadd.s32 s2, s17  }
0x8e: {  	[smem:$0x3FC6] =	sst s2  }
0x8f: {  	_ = 	snop  }
0x90: {  	s2 =	sld [smem:$0x3FD0];
	(tm) =	ssettm $0x1  }
0x91: {  	s18 =	sld [smem:$0x3FFB];
	_ =	sdelay $0x3  }
0x92: {  	_ =	strace s18  }
0x93: {  	s3 =	sld [smem:$0x3FFC];
	_ =	sdelay $0x3  }
0x94: {  	_ =	strace s3  }
0x95: {  	s3 =	sld [smem:$0x3FFD];
	_ =	sdelay $0x3  }
0x96: {  	_ =	strace s3  }
0x97: {  	_ =	strace $0x8FFFFFFF  }
0x98: {  	s19 =	sld [smem:$0x3FDB];
	_ =	sdelay $0x1  }
0x99: {  	s4 =	simm.s32 $_scs_section_size  }
0x9a: {  	s5 =	simm.s32 $_size__tile_overlayer_lowered;
	s6 =	simm.s32 $_tile_overlayer_lowered  }
0x9b: {  	s22 =	simm.s32 $0x1BFF;
	s21 =	sshll.u32 s6, $0x1;
	s3 =	sadd.s32 s4, s19  }
0x9c: {  	s7 =	simm.s32 $0x0;
	s20 =	sshll.u32 s5, $0x1;
	s5 =	sadd.s32 s21, s3  }
0x9d: {  	[timem:s7], [sflag:s22] =	dma.local [hbm:s5], s20  }
0x9e: {  	_ =	swait.ge [sflag:s22], s20  }
0x9f: {  	s4 =	ssub.s32 $0x0, s20;
	[sflag:s22] =	ssyncset.done $0x0  }
0xa0: {  	[sflag:s22] =	ssyncadd.s32 s4;
	_ =	sdelay $0x1  }
0xa1: {  	s23 =	simm.s32 $0x1B8B  }
0xa2: {  	_ =	swait.ge [sflag:s23], $0x1  }
0xa3: {  	[sflag:s23] =	ssyncset.done $0x0  }
0xa4: {  	s25 =	simm.s32 $0x1B8E;
	s24 =	sld [smem:$0x3FFE];
	[sflag:s23] =	ssyncadd.s32 $0xFFFFFFFF  }
0xa5: {  	s26 =	simm.s32 $execute0_lowered;
	[smem:$0x3FD2] =	sst s25  }
0xa6: {  	s5 =	sshll.u32 s26, $0x1;
	_ =	strace $0x80000046;
	[dreg:$0x1] =	wrdreg $0xFFFFFFFF  }
0xa7: {  	s28 =	simm.s32 $_size_execute0_lowered;
	s3 =	sadd.s32 s3, s5;
	[dreg:$0x0] =	wrdreg $0x0  }
0xa8: {  	s5 =	sshll.u32 s28, $0x1;
	[dreg:$0x2] =	wrdreg s3  }
0xa9: {  	[dreg:$0x3] =	wrdreg s5  }
0xaa: {  	[dreg:$0x4] =	wrdreg $0xC0  }
0xab: {  	_ =	task [dreg:s7], $0x5FFFF  }
0xac: {  	[dreg:$0x1] =	wrdreg $0xFFFFFFFF  }
0xad: {  	[dreg:$0x0] =	wrdreg $0x60  }
0xae: {  	[dreg:$0x2] =	wrdreg s24  }
0xaf: {  	[dreg:$0x3] =	wrdreg s2  }
0xb0: {  	[dreg:$0x4] =	wrdreg $0x9  }
0xb1: {  	_ =	task.clear_ibuf [dreg:s7], $0x5FFFF;
	_ =	strace $0x90000046  }
0xb2: {  	s29 =	simm.s32 $0x9;
	_ =	strace $0x80000048  }
0xb3: {  	_ =	swait.ge [sflag:s29], $0x1  }
0xb4: {  	[sflag:s29] =	ssyncadd.s32 $0xFFFFFFFF  }
0xb5: {  	_ =	strace $0x90000048  }
0xb6: {  	_ =	sfence  }
0xb7: {  	s30 =	sld [smem:$0x0];
	_ =	sdelay $0x2  }
0xb8: {  	s31 =	sshll.u32 s1, $0xD;
	s1 =	sshrl.u32 s1, $0x2  }
0xb9: {  	s3 =	sand.u32 $0x4000, s31;
	s1 =	sadd.s32 s1, s30  }
0xba: {  	s0 =	sor.u32 s3, s0;
	s1 =	sshll.u32 s1, $0x11  }
0xbb: {  	s0 =	sor.u32 s1, s0  }
0xbc: {  	s0 =	sadd.s32 $0x8F2B, s0  }
0xbd: {  	[sflag:s0] =	ssyncadd.remote.s32 $0x1  }
0xbe: {  	_ =	sfence.sel $0xFFFF  }
0xbf: {  	[dreg:$0x0] =	wrdreg $0xFFFFFFFF;
	(pc) =	sbr.abs _section_cstart, $3  }
0xc0: {  	[dreg:$0x1] =	wrdreg $0xFFFFFFFF  }
0xc1: {  	_ =	task.clear_ibuf [dreg:s7], $0x2FFFF;
	_ =	strace $0x9FFFFFFF  }
0xc2: {  	(tm) =	ssettm $0x7FFFFFFF  }
0xc3: {  	_ =	shalt  }
tec
execute0_lowered:
.L_overlay_start_1:
0x0: {  	(tag) =	ssettag $0x1  }
0x1: {  	s4 =	rddreg [dreg:$0x0]  }
0x2: {  	s2 =	rddreg [dreg:$0x1];
	s3 =	srdreg.scid  }
0x3: {  	s1 =	stileid.u32;
	s0 =	rddreg [dreg:$0x2];
	s14 =	simm.s32 $0x13800  }
0x4: {  	s15 =	simm.s32 $0x1;
	s16 =	simm.s32 $0x2;
	s17 =	simm.s32 $0x0  }
0x5: {  	s5 =	sand.u32 $0x1, s3;
	s28 =	sshll.u32 s1, $0x10;
	s6 =	sshrl.u32 s1, $0x2  }
0x6: {  	s3 =	simm.s32 $0x0;
	s10 =	sshll.u32 s1, $0x1E;
	s7 =	sshll.u32 s5, $0xF  }
0x7: {  	s8 =	sand.u32 $0x10000, s28;
	s29 =	sshll.u32 s6, $0x11;
	[smem:$0x7FF] =	sst s3  }
0x8: {  	s9 =	smul.u32 $0x700, s6;
	s10 =	sshra.s32 s10, $0x1F;
	s7 =	sor.u32 s7, s8  }
0x9: {  	s5 =	ssub.s32 $0x2, s5;
	s12 =	smul.u32 $0x640000, s6;
	s8 =	sor.u32 s29, s7  }
0xa: {  	_ =	strace $0x80000047;
	s11 =	sshrl.u32 s5, $0x1;
	s8 =	sshrl.u32 s8, $0x3  }
0xb: {  	s9 =	sadd.s32 s9, s4;
	s8 =	sadd.s32 s8, s4;
	s4 =	sand.u32 $0x19, s10  }
0xc: {  	s11 =	ssub.s32 s5, s11;
	s5 =	sadd.s32 $0x10C00, s9;
	s13 =	sadd.s32 $0x18, s4  }
0xd: {  	s10 =	sand.u32 $0x80, s10;
	s6 =	sadd.s32 $0xC00, s8;
	s30 =	sshll.u32 s13, $0x11  }
0xe: {  	s31 =	sshll.u32 s13, $0x8;
	s13 =	simm.s32 $0xB800;
	s9 =	sadd.s32 s12, s30  }
0xf: {  	s8 =	sand.u32 $0x3800, s31;
	s9 =	sor.u32 s7, s9;
	s7 =	sor.u32 s7, s12  }
0x10: {  	s8 =	sor.u32 s10, s8;
	s10 =	smax.u32 s11, $0x1;
	s9 =	sshrl.u32 s9, $0x3  }
0x11: {  	s11 =	simm.s32 $0x3;
	s12 =	simm.s32 $0x3800;
	s9 =	sadd.s32 s2, s9  }
.LBB2_1:
0x12: {  	[tilespmem:s3], [sflag:$0x3] =	stream.linear.gather [hbm4b:s5+s3], $0x3800, $0x38;
	[tilespmem:$0x1B800] =	vst v63  }
0x13: {  	_ =	swait.ge [sflag:s11], $0x3800  }
0x14: {  	[sflag:s11] =	ssyncset.done $0x0  }
0x15: {  	[sflag:s11] =	ssyncadd.s32 $0xFFFFC800  }
0x16: {  	[tilespmem:s12], [sflag:$0x3] =	stream.linear.gather [hbm4b:s6+s3], $0x8000, $0x38;
	[tilespmem:$0x1B800] =	vst v63  }
0x17: {  	_ =	swait.ge [sflag:s11], $0x8000  }
0x18: {  	[sflag:s11] =	ssyncset.done $0x0  }
0x19: {  	s18 =	simm.s32 $0x0;
	[sflag:s11] =	ssyncadd.s32 $0xFFFF8000  }
.LBB2_2:
0x1a: {  	s19 =	sshll.u32 s18, $0x1;
	p0 =	seq.s32 s18, $0x0  }
0x1b: {  	s20 =	simm.s32 @!p0 $0x1;
	s19 =	sadd.s32 s4, s19  }
0x1c: {  	_ =	swait.ge @!p0 [sflag:s20], $0x8000;
	s21 =	sshll.u32 s19, $0x8;
	s22 =	sshll.u32 s19, $0x7  }
0x1d: {  	[sflag:s20] =	ssyncset.done @!p0 $0x0;
	s21 =	sand.u32 $0x3800, s21;
	s22 =	sand.u32 $0x380, s22  }
0x1e: {  	[sflag:s20] =	ssyncadd.s32 @!p0 $0xFFFF8000;
	s29 =	sor.u32 s22, s21  }
0x1f: {  	v14 =	vld [tilespmem:s29+$0x0]  }
0x20: {  	v13 =	vld [tilespmem:s29+$0x10]  }
0x21: {  	v12 =	vld [tilespmem:s29+$0x20]  }
0x22: {  	v11 =	vld [tilespmem:s29+$0x30]  }
0x23: {  	v10 =	vld [tilespmem:s29+$0x40]  }
0x24: {  	v9 =	vld [tilespmem:s29+$0x50]  }
0x25: {  	v8 =	vld [tilespmem:s29+$0x60]  }
0x26: {  	v7 =	vld [tilespmem:s29+$0x70]  }
0x27: {  	v6 =	vld [tilespmem:s29+$0x400]  }
0x28: {  	v5 =	vld [tilespmem:s29+$0x410]  }
0x29: {  	v4 =	vld [tilespmem:s29+$0x420]  }
0x2a: {  	v3 =	vld [tilespmem:s29+$0x430]  }
0x2b: {  	v2 =	vld [tilespmem:s29+$0x440]  }
0x2c: {  	s30 =	simm.s32 $0x0;
	v1 =	vld [tilespmem:s29+$0x450]  }
0x2d: {  	s31 =	sand.u32 $0x7800, s30;
	s21 =	sand.u32 $0x380, s30;
	v0 =	vld [tilespmem:s29+$0x460]  }
0x2e: {  	v15 =	vld [tilespmem:s29+$0x470];
	s21 =	sor.u32 s21, s31  }
0x2f: {  	v16 =	vld [tilespmem:s21+$0x3C70]  }
0x30: {  	v17 =	vld [tilespmem:s21+$0x3800]  }
0x31: {  	v18 =	vld [tilespmem:s21+$0x3810]  }
0x32: {  	v19 =	vld [tilespmem:s21+$0x3820]  }
0x33: {  	v20 =	vld [tilespmem:s21+$0x3830]  }
0x34: {  	v21 =	vld [tilespmem:s21+$0x3840];
	v16 =	vadd.f32 v16, v15  }
0x35: {  	v22 =	vld [tilespmem:s21+$0x3850];
	v17 =	vadd.f32 v17, v14  }
0x36: {  	v23 =	vld [tilespmem:s21+$0x3860];
	[tilespmem:s21+$0xBC70] =	vst v16;
	v16 =	vadd.f32 v18, v13  }
0x37: {  	v24 =	vld [tilespmem:s21+$0x3870];
	[tilespmem:s21+$0xB800] =	vst v17;
	v17 =	vadd.f32 v19, v12  }
0x38: {  	v25 =	vld [tilespmem:s21+$0x3C00];
	[tilespmem:s21+$0xB810] =	vst v16;
	v16 =	vadd.f32 v20, v11  }
0x39: {  	v19 =	vld [tilespmem:s21+$0x3C10];
	[tilespmem:s21+$0xB820] =	vst v17;
	v17 =	vadd.f32 v21, v10  }
0x3a: {  	v18 =	vadd.f32 v22, v9;
	[tilespmem:s21+$0xB830] =	vst v16;
	v16 =	vld [tilespmem:s21+$0x3C20]  }
0x3b: {  	s23 =	simm.s32 $0x100;
	v20 =	vadd.f32 v23, v8;
	[tilespmem:s21+$0xB840] =	vst v17;
	v17 =	vld [tilespmem:s21+$0x3C30]  }
0x3c: {  	s24 =	sand.u32 $0x7800, s23;
	s22 =	simm.s32 $0x80;
	[tilespmem:s21+$0xB850] =	vst v18;
	v18 =	vld [tilespmem:s21+$0x3C40];
	v21 =	vadd.f32 v24, v7  }
0x3d: {  	s23 =	simm.s32 $0x200;
	s20 =	sshllo.u32 s18, $0x1;
	s25 =	sand.u32 $0x380, s22;
	v22 =	vadd.f32 v25, v6;
	[tilespmem:s21+$0xB860] =	vst v20;
	v20 =	vld [tilespmem:s21+$0x3C50]  }
.LBB2_3:
0x3e: {  	p1 =	sne.s32 s23, $0x7F00;
	s24 =	sor.u32 s25, s24;
	[tilespmem:s21+$0xB870] =	vst v21;
	v19 =	vadd.f32 v19, v5;
	v21 =	vld [tilespmem:s21+$0x3C60]  }
0x3f: {  	v23 =	vld [tilespmem:s24+$0x3C70];
	[tilespmem:s21+$0xBC00] =	vst v22;
	v16 =	vadd.f32 v16, v4  }
0x40: {  	v22 =	vld [tilespmem:s24+$0x3800];
	[tilespmem:s21+$0xBC10] =	vst v19;
	v17 =	vadd.f32 v17, v3  }
0x41: {  	v19 =	vld [tilespmem:s24+$0x3810];
	[tilespmem:s21+$0xBC20] =	vst v16;
	v16 =	vadd.f32 v18, v2  }
0x42: {  	v18 =	vld [tilespmem:s24+$0x3820];
	[tilespmem:s21+$0xBC30] =	vst v17;
	v17 =	vadd.f32 v20, v1  }
0x43: {  	v20 =	vld [tilespmem:s24+$0x3830];
	[tilespmem:s21+$0xBC40] =	vst v16;
	v16 =	vadd.f32 v21, v0  }
0x44: {  	v21 =	vld [tilespmem:s24+$0x3840];
	v23 =	vadd.f32 v23, v15;
	[tilespmem:s21+$0xBC50] =	vst v17  }
0x45: {  	v17 =	vadd.f32 v22, v14;
	v22 =	vld [tilespmem:s24+$0x3850];
	[tilespmem:s21+$0xBC60] =	vst v16;
	s21 =	smov.u32 s24  }
0x46: {  	v16 =	vadd.f32 v19, v13;
	v24 =	vld [tilespmem:s21+$0x3860];
	[tilespmem:s21+$0xBC70] =	vst v23  }
0x47: {  	[tilespmem:s21+$0xB800] =	vst v17;
	v17 =	vadd.f32 v18, v12;
	v18 =	vld [tilespmem:s21+$0x3870]  }
0x48: {  	[tilespmem:s21+$0xB810] =	vst v16;
	v16 =	vadd.f32 v20, v11;
	v20 =	vld [tilespmem:s21+$0x3C00]  }
.Ltmp0:
0x49: {  	[tilespmem:s21+$0xB820] =	vst v17;
	v17 =	vadd.f32 v21, v10;
	v19 =	vld [tilespmem:s21+$0x3C10];
	(pc) =	sbr.rel @p1 .LBB2_3-.Ltmp0, $4  }
0x4a: {  	[tilespmem:s21+$0xB830] =	vst v16;
	v21 =	vadd.f32 v22, v9;
	v16 =	vld [tilespmem:s21+$0x3C20]  }
0x4b: {  	[tilespmem:s21+$0xB840] =	vst v17;
	v22 =	vadd.f32 v24, v8;
	v17 =	vld [tilespmem:s21+$0x3C30]  }
0x4c: {  	s22 =	sadd.s32 $0x80, s22;
	[tilespmem:s21+$0xB850] =	vst v21;
	v21 =	vadd.f32 v18, v7;
	v18 =	vld [tilespmem:s21+$0x3C40]  }
0x4d: {  	s25 =	sand.u32 $0x380, s22;
	s24 =	sand.u32 $0x7800, s23;
	s23 =	sadd.s32 $0x100, s23;
	[tilespmem:s21+$0xB860] =	vst v22;
	v22 =	vadd.f32 v20, v6;
	v20 =	vld [tilespmem:s21+$0x3C50]  }
0x4e: {  	[tilespmem:s21+$0xB870] =	vst v21;
	s22 =	sor.u32 s25, s24;
	v21 =	vld [tilespmem:s21+$0x3C60];
	v19 =	vadd.f32 v19, v5  }
0x4f: {  	v23 =	vld [tilespmem:s22+$0x3C70];
	[tilespmem:s21+$0xBC00] =	vst v22;
	v16 =	vadd.f32 v16, v4  }
0x50: {  	v22 =	vld [tilespmem:s22+$0x3800];
	[tilespmem:s21+$0xBC10] =	vst v19;
	v17 =	vadd.f32 v17, v3  }
0x51: {  	v19 =	vld [tilespmem:s22+$0x3810];
	[tilespmem:s21+$0xBC20] =	vst v16;
	v18 =	vadd.f32 v18, v2  }
0x52: {  	v16 =	vld [tilespmem:s22+$0x3820];
	[tilespmem:s21+$0xBC30] =	vst v17;
	v20 =	vadd.f32 v20, v1  }
0x53: {  	v17 =	vld [tilespmem:s22+$0x3830];
	[tilespmem:s21+$0xBC40] =	vst v18;
	v21 =	vadd.f32 v21, v0  }
0x54: {  	v18 =	vld [tilespmem:s22+$0x3840];
	[tilespmem:s21+$0xBC50] =	vst v20;
	v15 =	vadd.f32 v23, v15  }
0x55: {  	v20 =	vld [tilespmem:s22+$0x3850];
	v14 =	vadd.f32 v22, v14;
	[tilespmem:s21+$0xBC60] =	vst v21  }
0x56: {  	v13 =	vadd.f32 v19, v13;
	v19 =	vld [tilespmem:s22+$0x3860];
	[tilespmem:s22+$0xBC70] =	vst v15  }
0x57: {  	[tilespmem:s22+$0xB800] =	vst v14;
	v12 =	vadd.f32 v16, v12;
	v14 =	vld [tilespmem:s22+$0x3870]  }
0x58: {  	[tilespmem:s22+$0xB810] =	vst v13;
	v11 =	vadd.f32 v17, v11;
	v13 =	vld [tilespmem:s22+$0x3C00]  }
0x59: {  	[tilespmem:s22+$0xB820] =	vst v12;
	v10 =	vadd.f32 v18, v10;
	v12 =	vld [tilespmem:s22+$0x3C10]  }
0x5a: {  	[tilespmem:s22+$0xB830] =	vst v11;
	v9 =	vadd.f32 v20, v9;
	v11 =	vld [tilespmem:s22+$0x3C20]  }
0x5b: {  	[tilespmem:s22+$0xB840] =	vst v10;
	v8 =	vadd.f32 v19, v8;
	v10 =	vld [tilespmem:s22+$0x3C30]  }
0x5c: {  	[tilespmem:s22+$0xB850] =	vst v9;
	v7 =	vadd.f32 v14, v7;
	v9 =	vld [tilespmem:s22+$0x3C40]  }
0x5d: {  	[tilespmem:s22+$0xB860] =	vst v8;
	v6 =	vadd.f32 v13, v6;
	v8 =	vld [tilespmem:s22+$0x3C50]  }
0x5e: {  	[tilespmem:s22+$0xB870] =	vst v7;
	v5 =	vadd.f32 v12, v5;
	v7 =	vld [tilespmem:s22+$0x3C60]  }
0x5f: {  	[tilespmem:s22+$0xBC00] =	vst v6;
	v4 =	vadd.f32 v11, v4  }
0x60: {  	[tilespmem:s22+$0xBC10] =	vst v5;
	v3 =	vadd.f32 v10, v3  }
0x61: {  	[tilespmem:s22+$0xBC20] =	vst v4;
	v2 =	vadd.f32 v9, v2  }
0x62: {  	s19 =	sshll.u32 s19, $0x11;
	[tilespmem:s22+$0xBC30] =	vst v3;
	v1 =	vadd.f32 v8, v1  }
0x63: {  	s19 =	sadd.s32 s7, s19;
	[tilespmem:s22+$0xBC40] =	vst v2;
	v0 =	vadd.f32 v7, v0  }
0x64: {  	s19 =	sshrl.u32 s19, $0x3;
	[tilespmem:s22+$0xBC50] =	vst v1  }
0x65: {  	s19 =	sadd.s32 s2, s19;
	[tilespmem:s22+$0xBC60] =	vst v0  }
0x66: {  	[hbm4b:s19+s3] =	stream.linear.scatter [tilespmem:s13], [sflag:$0x1], $0x8000, $0x38;
	[tilespmem:$0x1B800] =	vst v63  }
0x67: {  	s21 =	simm.s32 @!p0 $0x2;
	s19 =	sadd.s32 s4, s20  }
0x68: {  	_ =	swait.ge @!p0 [sflag:s21], $0x8000;
	s20 =	sshll.u32 s19, $0x8;
	s28 =	sshll.u32 s19, $0x7  }
0x69: {  	[sflag:s21] =	ssyncset.done @!p0 $0x0;
	s20 =	sand.u32 $0x3800, s20;
	s22 =	sand.u32 $0x380, s28  }
0x6a: {  	[sflag:s21] =	ssyncadd.s32 @!p0 $0xFFFF8000;
	s20 =	sor.u32 s22, s20  }
0x6b: {  	v14 =	vld [tilespmem:s20+$0x0]  }
0x6c: {  	v13 =	vld [tilespmem:s20+$0x10]  }
0x6d: {  	v12 =	vld [tilespmem:s20+$0x20]  }
0x6e: {  	v11 =	vld [tilespmem:s20+$0x30]  }
0x6f: {  	v10 =	vld [tilespmem:s20+$0x40]  }
0x70: {  	v9 =	vld [tilespmem:s20+$0x50]  }
0x71: {  	v8 =	vld [tilespmem:s20+$0x60]  }
0x72: {  	v7 =	vld [tilespmem:s20+$0x70]  }
0x73: {  	v6 =	vld [tilespmem:s20+$0x400]  }
0x74: {  	v5 =	vld [tilespmem:s20+$0x410]  }
0x75: {  	v4 =	vld [tilespmem:s20+$0x420]  }
0x76: {  	v3 =	vld [tilespmem:s20+$0x430]  }
0x77: {  	v2 =	vld [tilespmem:s20+$0x440]  }
0x78: {  	s29 =	simm.s32 $0x0;
	v1 =	vld [tilespmem:s20+$0x450]  }
0x79: {  	s30 =	sand.u32 $0x7800, s29;
	s21 =	sand.u32 $0x380, s29;
	v0 =	vld [tilespmem:s20+$0x460]  }
0x7a: {  	v15 =	vld [tilespmem:s20+$0x470];
	s20 =	sor.u32 s21, s30  }
0x7b: {  	v16 =	vld [tilespmem:s20+$0x3C70]  }
0x7c: {  	v17 =	vld [tilespmem:s20+$0x3800]  }
0x7d: {  	v18 =	vld [tilespmem:s20+$0x3810]  }
0x7e: {  	v19 =	vld [tilespmem:s20+$0x3820]  }
0x7f: {  	v20 =	vld [tilespmem:s20+$0x3830]  }
0x80: {  	v21 =	vld [tilespmem:s20+$0x3840];
	v16 =	vadd.f32 v16, v15  }
0x81: {  	v22 =	vld [tilespmem:s20+$0x3850];
	v17 =	vadd.f32 v17, v14  }
0x82: {  	v23 =	vld [tilespmem:s20+$0x3860];
	[tilespmem:s20+$0x13C70] =	vst v16;
	v16 =	vadd.f32 v18, v13  }
0x83: {  	v24 =	vld [tilespmem:s20+$0x3870];
	[tilespmem:s20+$0x13800] =	vst v17;
	v17 =	vadd.f32 v19, v12  }
0x84: {  	v25 =	vld [tilespmem:s20+$0x3C00];
	[tilespmem:s20+$0x13810] =	vst v16;
	v16 =	vadd.f32 v20, v11  }
0x85: {  	v19 =	vld [tilespmem:s20+$0x3C10];
	[tilespmem:s20+$0x13820] =	vst v17;
	v17 =	vadd.f32 v21, v10  }
0x86: {  	v18 =	vadd.f32 v22, v9;
	[tilespmem:s20+$0x13830] =	vst v16;
	v16 =	vld [tilespmem:s20+$0x3C20]  }
0x87: {  	v20 =	vadd.f32 v23, v8;
	[tilespmem:s20+$0x13840] =	vst v17;
	v17 =	vld [tilespmem:s20+$0x3C30]  }
0x88: {  	s31 =	simm.s32 $0x100;
	s21 =	simm.s32 $0x80;
	[tilespmem:s20+$0x13850] =	vst v18;
	v18 =	vld [tilespmem:s20+$0x3C40];
	v21 =	vadd.f32 v24, v7  }
0x89: {  	s23 =	sand.u32 $0x7800, s31;
	s22 =	simm.s32 $0x200;
	s24 =	sand.u32 $0x380, s21;
	v22 =	vadd.f32 v25, v6;
	[tilespmem:s20+$0x13860] =	vst v20;
	v20 =	vld [tilespmem:s20+$0x3C50]  }
.LBB2_5:
0x8a: {  	p0 =	sne.s32 s22, $0x7F00;
	s23 =	sor.u32 s24, s23;
	[tilespmem:s20+$0x13870] =	vst v21;
	v19 =	vadd.f32 v19, v5;
	v21 =	vld [tilespmem:s20+$0x3C60]  }
0x8b: {  	v23 =	vld [tilespmem:s23+$0x3C70];
	[tilespmem:s20+$0x13C00] =	vst v22;
	v16 =	vadd.f32 v16, v4  }
0x8c: {  	v22 =	vld [tilespmem:s23+$0x3800];
	[tilespmem:s20+$0x13C10] =	vst v19;
	v17 =	vadd.f32 v17, v3  }
0x8d: {  	v19 =	vld [tilespmem:s23+$0x3810];
	[tilespmem:s20+$0x13C20] =	vst v16;
	v16 =	vadd.f32 v18, v2  }
0x8e: {  	v18 =	vld [tilespmem:s23+$0x3820];
	[tilespmem:s20+$0x13C30] =	vst v17;
	v17 =	vadd.f32 v20, v1  }
0x8f: {  	v20 =	vld [tilespmem:s23+$0x3830];
	[tilespmem:s20+$0x13C40] =	vst v16;
	v16 =	vadd.f32 v21, v0  }
0x90: {  	v21 =	vld [tilespmem:s23+$0x3840];
	v23 =	vadd.f32 v23, v15;
	[tilespmem:s20+$0x13C50] =	vst v17  }
0x91: {  	v17 =	vadd.f32 v22, v14;
	v22 =	vld [tilespmem:s23+$0x3850];
	[tilespmem:s20+$0x13C60] =	vst v16;
	s20 =	smov.u32 s23  }
0x92: {  	v16 =	vadd.f32 v19, v13;
	v24 =	vld [tilespmem:s20+$0x3860];
	[tilespmem:s20+$0x13C70] =	vst v23  }
0x93: {  	[tilespmem:s20+$0x13800] =	vst v17;
	v17 =	vadd.f32 v18, v12;
	v18 =	vld [tilespmem:s20+$0x3870]  }
0x94: {  	[tilespmem:s20+$0x13810] =	vst v16;
	v16 =	vadd.f32 v20, v11;
	v20 =	vld [tilespmem:s20+$0x3C00]  }
.Ltmp1:
0x95: {  	[tilespmem:s20+$0x13820] =	vst v17;
	v17 =	vadd.f32 v21, v10;
	v19 =	vld [tilespmem:s20+$0x3C10];
	(pc) =	sbr.rel @p0 .LBB2_5-.Ltmp1, $4  }
0x96: {  	[tilespmem:s20+$0x13830] =	vst v16;
	v21 =	vadd.f32 v22, v9;
	v16 =	vld [tilespmem:s20+$0x3C20]  }
0x97: {  	[tilespmem:s20+$0x13840] =	vst v17;
	v22 =	vadd.f32 v24, v8;
	v17 =	vld [tilespmem:s20+$0x3C30]  }
0x98: {  	s21 =	sadd.s32 $0x80, s21;
	[tilespmem:s20+$0x13850] =	vst v21;
	v21 =	vadd.f32 v18, v7;
	v18 =	vld [tilespmem:s20+$0x3C40]  }
0x99: {  	s24 =	sand.u32 $0x380, s21;
	s23 =	sand.u32 $0x7800, s22;
	s22 =	sadd.s32 $0x100, s22;
	[tilespmem:s20+$0x13860] =	vst v22;
	v22 =	vadd.f32 v20, v6;
	v20 =	vld [tilespmem:s20+$0x3C50]  }
0x9a: {  	[tilespmem:s20+$0x13870] =	vst v21;
	s21 =	sor.u32 s24, s23;
	v48 =	vld [tilespmem:s20+$0x3C60];
	v19 =	vadd.f32 v19, v5  }
0x9b: {  	v23 =	vld [tilespmem:s21+$0x3C70];
	[tilespmem:s20+$0x13C00] =	vst v22;
	v16 =	vadd.f32 v16, v4  }
0x9c: {  	v22 =	vld [tilespmem:s21+$0x3800];
	[tilespmem:s20+$0x13C10] =	vst v19;
	v17 =	vadd.f32 v17, v3  }
0x9d: {  	v19 =	vld [tilespmem:s21+$0x3810];
	[tilespmem:s20+$0x13C20] =	vst v16;
	v18 =	vadd.f32 v18, v2  }
0x9e: {  	v16 =	vld [tilespmem:s21+$0x3820];
	[tilespmem:s20+$0x13C30] =	vst v17;
	v20 =	vadd.f32 v20, v1  }
0x9f: {  	v17 =	vld [tilespmem:s21+$0x3830];
	[tilespmem:s20+$0x13C40] =	vst v18;
	v21 =	vadd.f32 v48, v0  }
0xa0: {  	v18 =	vld [tilespmem:s21+$0x3840];
	[tilespmem:s20+$0x13C50] =	vst v20;
	v15 =	vadd.f32 v23, v15  }
0xa1: {  	v20 =	vld [tilespmem:s21+$0x3850];
	v14 =	vadd.f32 v22, v14;
	[tilespmem:s20+$0x13C60] =	vst v21  }
0xa2: {  	v13 =	vadd.f32 v19, v13;
	v49 =	vld [tilespmem:s21+$0x3860];
	[tilespmem:s21+$0x13C70] =	vst v15  }
0xa3: {  	v50 =	vld [tilespmem:s21+$0x3870];
	[tilespmem:s21+$0x13800] =	vst v14;
	v12 =	vadd.f32 v16, v12  }
0xa4: {  	v51 =	vld [tilespmem:s21+$0x3C00];
	[tilespmem:s21+$0x13810] =	vst v13;
	v11 =	vadd.f32 v17, v11  }
0xa5: {  	v52 =	vld [tilespmem:s21+$0x3C10];
	[tilespmem:s21+$0x13820] =	vst v12;
	v10 =	vadd.f32 v18, v10  }
0xa6: {  	v53 =	vld [tilespmem:s21+$0x3C20];
	[tilespmem:s21+$0x13830] =	vst v11;
	v9 =	vadd.f32 v20, v9  }
0xa7: {  	v54 =	vld [tilespmem:s21+$0x3C30];
	[tilespmem:s21+$0x13840] =	vst v10;
	v8 =	vadd.f32 v49, v8  }
0xa8: {  	v55 =	vld [tilespmem:s21+$0x3C40];
	v7 =	vadd.f32 v50, v7;
	[tilespmem:s21+$0x13850] =	vst v9  }
0xa9: {  	v56 =	vld [tilespmem:s21+$0x3C50];
	v6 =	vadd.f32 v51, v6;
	[tilespmem:s21+$0x13860] =	vst v8  }
0xaa: {  	v58 =	vld [tilespmem:s21+$0x3C60];
	v57 =	vadd.f32 v52, v5;
	[tilespmem:s21+$0x13870] =	vst v7  }
0xab: {  	v59 =	vadd.f32 v53, v4;
	[tilespmem:s21+$0x13C00] =	vst v6  }
0xac: {  	s18 =	sadd.s32 $0x1, s18;
	v60 =	vadd.f32 v54, v3;
	[tilespmem:s21+$0x13C10] =	vst v57  }
0xad: {  	p0 =	sne.s32 s18, $0xC;
	v61 =	vadd.f32 v55, v2;
	[tilespmem:s21+$0x13C20] =	vst v59  }
.Ltmp2:
0xae: {  	s19 =	sshll.u32 s19, $0x11;
	v62 =	vadd.f32 v56, v1;
	[tilespmem:s21+$0x13C30] =	vst v60;
	(pc) =	sbr.rel @p0 .LBB2_2-.Ltmp2, $4  }
0xaf: {  	s19 =	sadd.s32 s7, s19;
	v63 =	vadd.f32 v58, v0;
	[tilespmem:s21+$0x13C40] =	vst v61  }
0xb0: {  	s19 =	sshrl.u32 s19, $0x3;
	[tilespmem:s21+$0x13C50] =	vst v62  }
0xb1: {  	s19 =	sadd.s32 s2, s19;
	[tilespmem:s21+$0x13C60] =	vst v63  }
0xb2: {  	[hbm4b:s19+s3] =	stream.linear.scatter [tilespmem:s14], [sflag:$0x2], $0x8000, $0x38;
	[tilespmem:$0x1B800] =	vst v63  }
0xb3: {  	_ =	swait.ge [sflag:s15], $0x8000  }
0xb4: {  	[sflag:s15] =	ssyncset.done $0x0  }
0xb5: {  	[sflag:s15] =	ssyncadd.s32 $0xFFFF8000  }
0xb6: {  	v14 =	vld [tilespmem:s8+$0x0]  }
0xb7: {  	v13 =	vld [tilespmem:s8+$0x10]  }
0xb8: {  	v12 =	vld [tilespmem:s8+$0x20]  }
0xb9: {  	v11 =	vld [tilespmem:s8+$0x30]  }
0xba: {  	v10 =	vld [tilespmem:s8+$0x40]  }
0xbb: {  	v9 =	vld [tilespmem:s8+$0x50]  }
0xbc: {  	v8 =	vld [tilespmem:s8+$0x60]  }
0xbd: {  	v7 =	vld [tilespmem:s8+$0x70]  }
0xbe: {  	v6 =	vld [tilespmem:s8+$0x400]  }
0xbf: {  	v5 =	vld [tilespmem:s8+$0x410]  }
0xc0: {  	v4 =	vld [tilespmem:s8+$0x420]  }
0xc1: {  	v3 =	vld [tilespmem:s8+$0x430]  }
0xc2: {  	v2 =	vld [tilespmem:s8+$0x440]  }
0xc3: {  	s18 =	simm.s32 $0x0;
	v0 =	vld [tilespmem:s8+$0x450]  }
0xc4: {  	s19 =	sand.u32 $0x7800, s18;
	s18 =	sand.u32 $0x380, s18;
	v1 =	vld [tilespmem:s8+$0x460]  }
0xc5: {  	s18 =	sor.u32 s18, s19;
	v15 =	vld [tilespmem:s8+$0x470]  }
0xc6: {  	v16 =	vld [tilespmem:s18+$0x3C70]  }
0xc7: {  	v17 =	vld [tilespmem:s18+$0x3800]  }
0xc8: {  	v18 =	vld [tilespmem:s18+$0x3810]  }
0xc9: {  	v19 =	vld [tilespmem:s18+$0x3820]  }
0xca: {  	v20 =	vld [tilespmem:s18+$0x3830]  }
0xcb: {  	v21 =	vld [tilespmem:s18+$0x3840];
	v16 =	vadd.f32 v16, v15  }
0xcc: {  	v22 =	vld [tilespmem:s18+$0x3850];
	v17 =	vadd.f32 v17, v14  }
0xcd: {  	v23 =	vld [tilespmem:s18+$0x3860];
	[tilespmem:s18+$0xBC70] =	vst v16;
	v16 =	vadd.f32 v18, v13  }
0xce: {  	v24 =	vld [tilespmem:s18+$0x3870];
	[tilespmem:s18+$0xB800] =	vst v17;
	v17 =	vadd.f32 v19, v12  }
0xcf: {  	v25 =	vld [tilespmem:s18+$0x3C00];
	[tilespmem:s18+$0xB810] =	vst v16;
	v16 =	vadd.f32 v20, v11  }
0xd0: {  	v19 =	vld [tilespmem:s18+$0x3C10];
	[tilespmem:s18+$0xB820] =	vst v17;
	v17 =	vadd.f32 v21, v10  }
0xd1: {  	v18 =	vadd.f32 v22, v9;
	[tilespmem:s18+$0xB830] =	vst v16;
	v16 =	vld [tilespmem:s18+$0x3C20]  }
0xd2: {  	v20 =	vadd.f32 v23, v8;
	[tilespmem:s18+$0xB840] =	vst v17;
	v17 =	vld [tilespmem:s18+$0x3C30]  }
0xd3: {  	s20 =	simm.s32 $0x100;
	s19 =	simm.s32 $0x80;
	[tilespmem:s18+$0xB850] =	vst v18;
	v18 =	vld [tilespmem:s18+$0x3C40];
	v21 =	vadd.f32 v24, v7  }
0xd4: {  	s21 =	sand.u32 $0x7800, s20;
	s20 =	simm.s32 $0x200;
	s22 =	sand.u32 $0x380, s19;
	v22 =	vadd.f32 v25, v6;
	[tilespmem:s18+$0xB860] =	vst v20;
	v20 =	vld [tilespmem:s18+$0x3C50]  }
.LBB2_8:
0xd5: {  	p0 =	sne.s32 s20, $0x7F00;
	s21 =	sor.u32 s22, s21;
	[tilespmem:s18+$0xB870] =	vst v21;
	v19 =	vadd.f32 v19, v5;
	v21 =	vld [tilespmem:s18+$0x3C60]  }
0xd6: {  	v23 =	vld [tilespmem:s21+$0x3C70];
	[tilespmem:s18+$0xBC00] =	vst v22;
	v16 =	vadd.f32 v16, v4  }
0xd7: {  	v22 =	vld [tilespmem:s21+$0x3800];
	[tilespmem:s18+$0xBC10] =	vst v19;
	v17 =	vadd.f32 v17, v3  }
0xd8: {  	v19 =	vld [tilespmem:s21+$0x3810];
	[tilespmem:s18+$0xBC20] =	vst v16;
	v16 =	vadd.f32 v18, v2  }
0xd9: {  	v18 =	vld [tilespmem:s21+$0x3820];
	[tilespmem:s18+$0xBC30] =	vst v17;
	v17 =	vadd.f32 v20, v0  }
0xda: {  	v20 =	vld [tilespmem:s21+$0x3830];
	[tilespmem:s18+$0xBC40] =	vst v16;
	v16 =	vadd.f32 v21, v1  }
0xdb: {  	v21 =	vld [tilespmem:s21+$0x3840];
	v23 =	vadd.f32 v23, v15;
	[tilespmem:s18+$0xBC50] =	vst v17  }
0xdc: {  	v17 =	vadd.f32 v22, v14;
	v22 =	vld [tilespmem:s21+$0x3850];
	[tilespmem:s18+$0xBC60] =	vst v16;
	s18 =	smov.u32 s21  }
0xdd: {  	v16 =	vadd.f32 v19, v13;
	v24 =	vld [tilespmem:s18+$0x3860];
	[tilespmem:s18+$0xBC70] =	vst v23  }
0xde: {  	[tilespmem:s18+$0xB800] =	vst v17;
	v17 =	vadd.f32 v18, v12;
	v18 =	vld [tilespmem:s18+$0x3870]  }
0xdf: {  	[tilespmem:s18+$0xB810] =	vst v16;
	v16 =	vadd.f32 v20, v11;
	v20 =	vld [tilespmem:s18+$0x3C00]  }
.Ltmp3:
0xe0: {  	[tilespmem:s18+$0xB820] =	vst v17;
	v17 =	vadd.f32 v21, v10;
	v19 =	vld [tilespmem:s18+$0x3C10];
	(pc) =	sbr.rel @p0 .LBB2_8-.Ltmp3, $4  }
0xe1: {  	[tilespmem:s18+$0xB830] =	vst v16;
	v21 =	vadd.f32 v22, v9;
	v16 =	vld [tilespmem:s18+$0x3C20]  }
0xe2: {  	[tilespmem:s18+$0xB840] =	vst v17;
	v22 =	vadd.f32 v24, v8;
	v17 =	vld [tilespmem:s18+$0x3C30]  }
0xe3: {  	s19 =	sadd.s32 $0x80, s19;
	[tilespmem:s18+$0xB850] =	vst v21;
	v21 =	vadd.f32 v18, v7;
	v18 =	vld [tilespmem:s18+$0x3C40]  }
0xe4: {  	s22 =	sand.u32 $0x380, s19;
	s21 =	sand.u32 $0x7800, s20;
	s20 =	sadd.s32 $0x100, s20;
	[tilespmem:s18+$0xB860] =	vst v22;
	v22 =	vadd.f32 v20, v6;
	v20 =	vld [tilespmem:s18+$0x3C50]  }
0xe5: {  	[tilespmem:s18+$0xB870] =	vst v21;
	s19 =	sor.u32 s22, s21;
	v48 =	vld [tilespmem:s18+$0x3C60];
	v19 =	vadd.f32 v19, v5  }
0xe6: {  	v23 =	vld [tilespmem:s19+$0x3C70];
	[tilespmem:s18+$0xBC00] =	vst v22;
	v16 =	vadd.f32 v16, v4  }
0xe7: {  	v22 =	vld [tilespmem:s19+$0x3800];
	[tilespmem:s18+$0xBC10] =	vst v19;
	v17 =	vadd.f32 v17, v3  }
0xe8: {  	v19 =	vld [tilespmem:s19+$0x3810];
	[tilespmem:s18+$0xBC20] =	vst v16;
	v18 =	vadd.f32 v18, v2  }
0xe9: {  	v16 =	vld [tilespmem:s19+$0x3820];
	[tilespmem:s18+$0xBC30] =	vst v17;
	v20 =	vadd.f32 v20, v0  }
0xea: {  	v17 =	vld [tilespmem:s19+$0x3830];
	[tilespmem:s18+$0xBC40] =	vst v18;
	v21 =	vadd.f32 v48, v1  }
0xeb: {  	v18 =	vld [tilespmem:s19+$0x3840];
	[tilespmem:s18+$0xBC50] =	vst v20;
	v15 =	vadd.f32 v23, v15  }
0xec: {  	v20 =	vld [tilespmem:s19+$0x3850];
	v14 =	vadd.f32 v22, v14;
	[tilespmem:s18+$0xBC60] =	vst v21  }
0xed: {  	v13 =	vadd.f32 v19, v13;
	v49 =	vld [tilespmem:s19+$0x3860];
	[tilespmem:s19+$0xBC70] =	vst v15  }
0xee: {  	v50 =	vld [tilespmem:s19+$0x3870];
	[tilespmem:s19+$0xB800] =	vst v14;
	v12 =	vadd.f32 v16, v12  }
0xef: {  	v51 =	vld [tilespmem:s19+$0x3C00];
	[tilespmem:s19+$0xB810] =	vst v13;
	v11 =	vadd.f32 v17, v11  }
0xf0: {  	v52 =	vld [tilespmem:s19+$0x3C10];
	[tilespmem:s19+$0xB820] =	vst v12;
	v10 =	vadd.f32 v18, v10  }
0xf1: {  	v53 =	vld [tilespmem:s19+$0x3C20];
	[tilespmem:s19+$0xB830] =	vst v11;
	v9 =	vadd.f32 v20, v9  }
0xf2: {  	v54 =	vld [tilespmem:s19+$0x3C30];
	[tilespmem:s19+$0xB840] =	vst v10;
	v8 =	vadd.f32 v49, v8  }
0xf3: {  	v55 =	vld [tilespmem:s19+$0x3C40];
	v7 =	vadd.f32 v50, v7;
	[tilespmem:s19+$0xB850] =	vst v9  }
0xf4: {  	v56 =	vld [tilespmem:s19+$0x3C50];
	v6 =	vadd.f32 v51, v6;
	[tilespmem:s19+$0xB860] =	vst v8  }
0xf5: {  	v58 =	vld [tilespmem:s19+$0x3C60];
	v57 =	vadd.f32 v52, v5;
	[tilespmem:s19+$0xB870] =	vst v7  }
0xf6: {  	v59 =	vadd.f32 v53, v4;
	[tilespmem:s19+$0xBC00] =	vst v6  }
0xf7: {  	v60 =	vadd.f32 v54, v3;
	[tilespmem:s19+$0xBC10] =	vst v57  }
0xf8: {  	v61 =	vadd.f32 v55, v2;
	[tilespmem:s19+$0xBC20] =	vst v59  }
0xf9: {  	v62 =	vadd.f32 v56, v0;
	[tilespmem:s19+$0xBC30] =	vst v60  }
0xfa: {  	v63 =	vadd.f32 v58, v1;
	[tilespmem:s19+$0xBC40] =	vst v61  }
0xfb: {  	[tilespmem:s19+$0xBC50] =	vst v62  }
0xfc: {  	s17 =	sadd.s32 $0x1, s17;
	[tilespmem:s19+$0xBC60] =	vst v63  }
0xfd: {  	[hbm4b:s9+s3] =	stream.linear.scatter [tilespmem:s13], [sflag:$0x1], $0x8000, $0x38;
	[tilespmem:$0x1B800] =	vst v63  }
0xfe: {  	p0 =	sne.s32 s17, s10;
	_ =	swait.ge [sflag:s15], $0x8000  }
.Ltmp4:
0xff: {  	[sflag:s15] =	ssyncset.done $0x0;
	(pc) =	sbr.rel @p0 .LBB2_1-.Ltmp4, $4  }
0x100: {  	[sflag:s15] =	ssyncadd.s32 $0xFFFF8000  }
0x101: {  	_ =	swait.ge [sflag:s16], $0x8000  }
0x102: {  	[sflag:s16] =	ssyncset.done $0x0  }
0x103: {  	[sflag:s16] =	ssyncadd.s32 $0xFFFF8000  }
0x104: {  	_ =	sfence.sel $0x180000  }
0x105: {  	[bflag:$0x0] =	sbarrier.arrive $0xFFFF  }
0x106: {  	p0 =	sne.s32 s1, $0x0;
	_ =	strace $0x90000047  }
0x107: {  	s0 =	sadd.s32 @!p0 $0x100000, s0;
	[bflag:$0x2] =	sbarrier.arrive $0xFFFF  }
0x108: {  	[sflag:s0] =	ssyncadd.tile.s32 @!p0 $0x1;
	_ =	shalt  }
.Lfunc_end2:
_tile_overlayer_lowered:
.L_overlay_start_2:
0x109: {  	(tag) =	ssettag $0x2  }
0x10a: {  	s0 =	rddreg [dreg:$0x0];
	s2 =	stileid.u32  }
0x10b: {  	s1 =	rddreg [dreg:$0x1];
	p0 =	sne.s32 s2, $0x0  }
0x10c: {  	s3 =	rddreg [dreg:$0x2];
	[bflag:$0x3] =	sbarrier.arrive $0xFFFF;
	s2 =	simm.s32 @!p0 $0x1C03  }
0x10d: {  	[timem:s3], [sflag:s2] =	dma.local @!p0 [hbm:s0], s1  }
0x10e: {  	s0 =	simm.s32 @!p0 $0x3  }
0x10f: {  	_ =	swait.ge @!p0 [sflag:s0], s1  }
0x110: {  	s1 =	ssub.s32 @!p0 $0x0, s1;
	[sflag:s0] =	ssyncset.done @!p0 $0x0  }
0x111: {  	[sflag:s0] =	ssyncadd.s32 @!p0 s1  }
0x112: {  	[bflag:$0x3] =	sbarrier.arrive $0xFFFF  }
0x113: {  	_ =	shalt  }

</sc_bundles>
